<compile_context>
chip_gen: v7x
topology: tpu7x:2x2x1
jax: 0.10.2.dev20260603
libtpu: 0.0.44.dev20260713+nightly
codegen_flags: <defaults>
</compile_context>

<pallas_src>
import dataclasses
import functools

import jax
import jax.numpy as jnp
from jax.experimental import pallas as pl
from jax.experimental.pallas import tpu as pltpu
from jax.experimental.pallas import tpu_sc as plsc


def _prep_body(cin_ref, r_ref, cbmta_ref, iotac_ref, cs_ref, idx_ref, *,
               m_sub, kc, d_sub, rb1):
    f32, bf16 = jnp.float32, jnp.bfloat16
    i = pl.program_id(0)
    x16 = cin_ref[pl.ds(i * rb1, rb1), :]
    rot = jnp.dot(x16, r_ref[...], preferred_element_type=f32)
    rot16 = rot.astype(bf16)
    cs_ref[...] = rot16
    rot_aug = jnp.concatenate(
        [rot16, jnp.ones((rb1, 1), bf16)], axis=1)
    dims_t = (((1,), (1,)), ((), ()))
    dist_t = jax.lax.dot_general(cbmta_ref[...], rot_aug, dims_t,
                                 preferred_element_type=f32)
    d3 = dist_t.reshape(m_sub, kc, rb1)
    min3 = jnp.min(d3, axis=1, keepdims=True)
    oh_t = (d3 == min3).astype(bf16).reshape(m_sub * kc, rb1)
    dims_c = (((0,), (0,)), ((), ()))
    idxf = jax.lax.dot_general(oh_t, iotac_ref[...], dims_c,
                               preferred_element_type=f32)
    idxk = jnp.minimum(idxf.astype(jnp.int32), kc - 1)
    offs = jax.lax.broadcasted_iota(jnp.int32, (rb1, m_sub), 1) * kc
    idx_ref[...] = idxk + offs


def _loss_body(oq_ref, r_ref, cin_ref, cs_ref, cp_ref, od_ref, op_ref):
    f32, bf16 = jnp.float32, jnp.bfloat16
    oq16 = oq_ref[...]
    rq16 = jnp.dot(oq16, r_ref[...],
                   preferred_element_type=f32).astype(bf16)
    dims = (((1,), (1,)), ((), ()))

    t = jax.lax.dot_general(oq16, cin_ref[...], dims,
                            preferred_element_type=f32)
    mt = jnp.max(t, axis=1, keepdims=True)
    et = jnp.exp(t - mt)
    st = jnp.sum(et, axis=1, keepdims=True)

    def student_term(c_ref, shift):
        s = jax.lax.dot_general(rq16, c_ref[...], dims,
                                preferred_element_type=f32)
        if shift is None:
            shift = jnp.max(s, axis=1, keepdims=True)
        es = jnp.exp(s - shift)
        ss = jnp.sum(es, axis=1, keepdims=True)
        num = jnp.sum(et * jnp.log(es + 1e-6 * ss), axis=1, keepdims=True)
        return jnp.sum(num / st - jnp.log(ss))

    dense_part = student_term(cs_ref, mt)
    pq_part = student_term(cp_ref, None)
    od_ref[...] = jnp.full(od_ref.shape, dense_part, f32)
    op_ref[...] = jnp.full(op_ref.shape, pq_part, f32)


def _sc_gather(cb1d, idx_flat, n_idx, n_cb, d_sub):
    window = 512
    mesh = plsc.VectorSubcoreMesh(core_axis_name="c", subcore_axis_name="s")

    cp = pltpu.CompilerParams()
    if "needs_layout_passes" in pltpu.CompilerParams.__dataclass_fields__:
        cp = dataclasses.replace(cp, needs_layout_passes=False)

    @functools.partial(
        pl.kernel,
        out_type=jax.ShapeDtypeStruct((1, n_idx * d_sub), cb1d.dtype),
        mesh=mesh, compiler_params=cp)
    def gather_kernel(cb_hbm, i_hbm, o_hbm):
        def body(cb_vmem, i_vmem, o_vmem):
            lane = jax.lax.broadcasted_iota(jnp.int32, (16,), 0)

            @pl.loop(0, window, step=16)
            def _(j):
                idx_v = i_vmem[0, pl.ds(j, 16)]
                ebase = idx_v * d_sub
                obase = (j + lane) * d_sub
                for d in range(d_sub):
                    vals = plsc.load_gather(cb_vmem.at[0], [ebase + d])
                    plsc.store_scatter(o_vmem.at[0], [obase + d], vals)

        pltpu.emit_pipeline(
            body,
            grid=(n_idx // window,),
            in_specs=[
                pl.BlockSpec((1, n_cb), index_map=lambda i: (0, 0)),
                pl.BlockSpec((1, window), index_map=lambda i: (0, i)),
            ],
            out_specs=[pl.BlockSpec((1, window * d_sub),
                                    index_map=lambda i: (0, i))],
            core_axis_name=("c", "s"),
            dimension_semantics=(pltpu.PARALLEL,),
        )(cb_hbm, i_hbm, o_hbm)

    return gather_kernel(cb1d, idx_flat)


def kernel(query_token_ids, query_attention_mask, doc_token_ids,
           doc_attention_mask, neg_token_ids, neg_attention_mask,
           origin_q_emb, origin_d_emb, origin_n_emb, doc_ids, neg_ids,
           R, codebook):
    f32, bf16 = jnp.float32, jnp.bfloat16
    b, emb = origin_q_emb.shape
    m_sub, kc, d_sub = codebook.shape
    mk = m_sub * kc
    n2 = 2 * b

    eye = jnp.eye(m_sub, dtype=codebook.dtype)
    cbmt = (eye[:, :, None, None] * codebook[:, None, :, :]) \
        .transpose(0, 2, 1, 3).reshape(mk, emb)
    n2col = jnp.sum(codebook * codebook, axis=-1).reshape(mk, 1)
    cbmta = jnp.concatenate([-2.0 * cbmt, n2col], axis=1)
    kline = jnp.arange(kc, dtype=f32)
    iotac = (eye[:, :, None] * kline[None, None, :]) \
        .transpose(0, 2, 1).reshape(mk, m_sub)

    c_in16 = jnp.concatenate([origin_d_emb, origin_n_emb],
                             axis=0).astype(bf16)
    oq16 = origin_q_emb.astype(bf16)
    r16 = R.astype(bf16)
    iotac16 = iotac.astype(bf16)
    cbmta16 = cbmta.astype(bf16)

    rb1 = min(256, n2)
    g1 = n2 // rb1
    full = lambda shape: pl.BlockSpec(shape, lambda i: tuple(0 for _ in shape))
    c_s, idx4 = pl.pallas_call(
        functools.partial(_prep_body, m_sub=m_sub, kc=kc, d_sub=d_sub,
                          rb1=rb1),
        grid=(g1,),
        in_specs=[
            full((n2, emb)),
            full((emb, emb)),
            full((mk, emb + 1)),
            full((mk, m_sub)),
        ],
        out_specs=[
            pl.BlockSpec((rb1, emb), lambda i: (i, 0)),
            pl.BlockSpec((rb1, m_sub), lambda i: (i, 0)),
        ],
        out_shape=[
            jax.ShapeDtypeStruct((n2, emb), bf16),
            jax.ShapeDtypeStruct((n2, m_sub), jnp.int32),
        ],
        compiler_params=pltpu.CompilerParams(
            dimension_semantics=("arbitrary",)),
    )(c_in16, r16, cbmta16, iotac16)

    n_cb = mk * d_sub
    cb1d = codebook.reshape(1, n_cb)
    gathered = _sc_gather(cb1d, idx4.reshape(1, n2 * m_sub),
                          n2 * m_sub, n_cb, d_sub)
    c_p = gathered.reshape(n2, emb).astype(bf16)

    rb2 = min(256, b)
    g2 = b // rb2
    partials = pl.pallas_call(
        _loss_body,
        grid=(g2,),
        in_specs=[
            pl.BlockSpec((rb2, emb), lambda i: (i, 0)),
            full((emb, emb)),
            full((n2, emb)),
            full((n2, emb)),
            full((n2, emb)),
        ],
        out_specs=[
            pl.BlockSpec((1, 8, 128), lambda i: (i, 0, 0)),
            pl.BlockSpec((1, 8, 128), lambda i: (i, 0, 0)),
        ],
        out_shape=[
            jax.ShapeDtypeStruct((g2, 8, 128), f32),
            jax.ShapeDtypeStruct((g2, 8, 128), f32),
        ],
        compiler_params=pltpu.CompilerParams(
            dimension_semantics=("arbitrary",)),
    )(oq16, r16, c_in16, c_s, c_p)

    dense_loss = -jnp.sum(partials[0][:, 0, 0]) / b
    pq_loss = -jnp.sum(partials[1][:, 0, 0]) / b
    ivf_loss = jnp.asarray(0.0, dtype=f32)
    return (dense_loss, ivf_loss, pq_loss)

# --- scband reference (transcript-rebuilt; emitter-appended) ---
"""Pipeline reference for scband-learnable-vq-15805479649603 (READ-ONLY COPY).

The authoritative reference and input builder live on the scoring server;
editing this copy changes nothing except your own understanding.
"""

import jax, jax.numpy as jnp
import numpy as np

B = 4096
TOK = 32
EMB = 128
M = 32          # subvector_num
KC = 256        # 2 ** subvector_bits
D = EMB // M    # subvector dim
TEMP = 1.0


def setup_inputs(seed: int = 0) -> dict:
    key = jax.random.key(seed)
    ks = jax.random.split(key, 12)
    inp = {}
    inp["query_token_ids"] = jax.random.randint(ks[0], (B, TOK), 0, 30000)
    inp["query_attention_mask"] = jnp.ones((B, TOK), dtype=jnp.int64) if jax.config.jax_enable_x64 else jnp.ones((B, TOK), dtype=jnp.int32)
    inp["doc_token_ids"] = jax.random.randint(ks[1], (B, TOK), 0, 30000)
    inp["doc_attention_mask"] = inp["query_attention_mask"]
    inp["neg_token_ids"] = jax.random.randint(ks[2], (B, TOK), 0, 30000)
    inp["neg_attention_mask"] = inp["query_attention_mask"]
    inp["origin_q_emb"] = jax.random.normal(ks[3], (B, EMB), dtype=jnp.float32)
    inp["origin_d_emb"] = jax.random.normal(ks[4], (B, EMB), dtype=jnp.float32)
    inp["origin_n_emb"] = jax.random.normal(ks[5], (B, EMB), dtype=jnp.float32)
    inp["doc_ids"] = jax.random.randint(ks[6], (B,), 0, 1000000)
    inp["neg_ids"] = jax.random.randint(ks[7], (B,), 0, 1000000)
    # learned PQ params: OPQ rotation (orthogonal init) + codebook
    rng = np.random.RandomState(0)
    q, _ = np.linalg.qr(rng.randn(EMB, EMB).astype(np.float64))
    inp["R"] = jnp.asarray(q, dtype=jnp.float32)
    inp["codebook"] = jax.random.normal(ks[8], (M, KC, D), dtype=jnp.float32) * 0.1
    return inp


def _quantize(v, codebook):
    bs = v.shape[0]
    sub = v.reshape(bs, M, D)
    ip = jnp.einsum('bmd,mkd->bmk', sub, codebook)
    n1 = jnp.sum(sub * sub, axis=-1)[:, :, None]
    n2 = jnp.sum(codebook * codebook, axis=-1)[None, :, :]
    dist = n1 + n2 - 2.0 * ip                        # [B, M, K]
    idx = jnp.argmin(dist, axis=-1)                  # [B, M]
    quant = codebook[jnp.arange(M)[None, :], idx]    # [B, M, D] gather
    qfull = quant.reshape(bs, EMB)
    # straight-through estimator
    return v + jax.lax.stop_gradient(qfull - v)


def _score(qv, dv, nv):
    s = jnp.matmul(qv, dv.T)
    ns = jnp.matmul(qv, nv.T)
    return jnp.concatenate([s, ns], axis=-1) / TEMP


def _distill(teacher, student):
    preds = jax.nn.softmax(student, axis=1) + 1e-06
    true = jax.nn.softmax(teacher, axis=1)
    return jnp.mean(-jnp.sum(true * jnp.log(preds), axis=1))


def reference(query_token_ids, query_attention_mask, doc_token_ids, doc_attention_mask,
              neg_token_ids, neg_attention_mask, origin_q_emb, origin_d_emb, origin_n_emb,
              doc_ids, neg_ids, R, codebook):
    # fix_emb='query_doc': encoder bypassed, use precomputed embeddings
    query_vecs = origin_q_emb
    doc_vecs = origin_d_emb
    neg_vecs = origin_n_emb
    # pq.rotate_vec
    rq = jnp.matmul(query_vecs, R)
    rd = jnp.matmul(doc_vecs, R)
    rn = jnp.matmul(neg_vecs, R)
    # ivf is None -> no center selection; pq.quantization on rotated vecs
    qd = _quantize(rd, codebook)
    qn = _quantize(rn, codebook)
    origin_score = _score(origin_q_emb, origin_d_emb, origin_n_emb)
    dense_score = _score(rq, rd, rn)
    pq_score = _score(rq, qd, qn)
    dense_loss = _distill(origin_score, dense_score)
    ivf_loss = jnp.asarray(0.0, dtype=jnp.float32)   # ivf_score is None
    pq_loss = _distill(origin_score, pq_score)
    return (dense_loss, ivf_loss, pq_loss)

if __name__ == "__main__":
    import jax
    _d = setup_inputs()
    print(jax.jit(kernel)(*tuple(_d.values())))

</pallas_src>

<mosaic_0001>
#map = affine_map<(d0, d1) -> (0, 0)>
module attributes {stable_mosaic.version = 14 : i64} {
  func.func @gather_kernel(%arg0: i32, %arg1: i32, %arg2: memref<1x32768xf32, #tpu.memory_space<hbm>>, %arg3: memref<1x262144xi32, #tpu.memory_space<hbm>>, %arg4: memref<1x1048576xf32, #tpu.memory_space<hbm>>) attributes {dimension_semantics = [#tpu.dimension_semantics<core_parallel>, #tpu.dimension_semantics<subcore_parallel>], iteration_bounds = array<i64: 2, 16>, scalar_prefetch = 0 : i64, scratch_operands = 0 : i64, tpu.core_type = #tpu.core_type<sc_vector_subcore>, window_params = [{transform_indices = #map}, {transform_indices = #map}, {transform_indices = #map}]} {
    %mul3A = arith.constant 1 : i32
    %mul3A_0 = arith.muli %arg1, %mul3A : i32
    %add3A = arith.constant 0 : i32
    %add3A_1 = arith.addi %add3A, %mul3A_0 : i32
    %mul3A_2 = arith.constant 16 : i32
    %mul3A_3 = arith.muli %arg0, %mul3A_2 : i32
    %add3A_4 = arith.addi %add3A_1, %mul3A_3 : i32
    %mul3A_5 = arith.constant 16 : i32
    %mul3A_6 = arith.muli %add3A_4, %mul3A_5 : i32
    "tpu.region"() ({
      %run_scoped3A = memref.alloca() : memref<1x32768xf32, #tpu.memory_space<vmem>>
      %run_scoped3A_7 = memref.alloca() : memref<2x1x512xi32, #tpu.memory_space<vmem>>
      %run_scoped3A_8 = tpu.sem_alloc : memref<2x!tpu.dma_semaphore, #tpu.memory_space<semaphore_mem>>
      %run_scoped3A_9 = memref.alloca() : memref<2x1x2048xf32, #tpu.memory_space<vmem>>
      %run_scoped3A_10 = tpu.sem_alloc : memref<2x!tpu.dma_semaphore, #tpu.memory_space<semaphore_mem>>
      %add3A_11 = arith.constant 0 : i32
      %add3A_12 = arith.addi %add3A_11, %mul3A_6 : i32
      %select_n3A = arith.constant true
      %select_n3A_13 = arith.constant 0 : i32
      %select_n3A_14 = arith.constant -1 : i32
      %select_n3A_15 = arith.select %select_n3A, %select_n3A_14, %select_n3A_13 : i32
      %eq3A = arith.constant -1 : i32
      %eq3A_16 = arith.cmpi eq, %select_n3A_15, %eq3A : i32
      %select_n3A_17 = arith.constant 15 : i32
      %select_n3A_18 = arith.select %eq3A_16, %select_n3A_17, %select_n3A_15 : i32
      %add3A_19 = arith.addi %select_n3A_18, %mul3A_6 : i32
      %select_n3A_20 = arith.constant true
      %select_n3A_21 = arith.constant 0 : i32
      %select_n3A_22 = arith.constant 1 : i32
      %select_n3A_23 = arith.select %select_n3A_20, %select_n3A_22, %select_n3A_21 : i32
      %eq3A_24 = arith.constant 16 : i32
      %eq3A_25 = arith.cmpi eq, %select_n3A_23, %eq3A_24 : i32
      %select_n3A_26 = arith.constant 0 : i32
      %select_n3A_27 = arith.select %eq3A_25, %select_n3A_26, %select_n3A_23 : i32
      %add3A_28 = arith.addi %select_n3A_27, %mul3A_6 : i32
      %add3A_29 = arith.constant 1 : i32
      %add3A_30 = arith.addi %select_n3A_27, %add3A_29 : i32
      %select_n3A_31 = arith.constant true
      %select_n3A_32 = arith.select %select_n3A_31, %add3A_30, %select_n3A_27 : i32
      %eq3A_33 = arith.constant 16 : i32
      %eq3A_34 = arith.cmpi eq, %select_n3A_32, %eq3A_33 : i32
      %select_n3A_35 = arith.constant 0 : i32
      %select_n3A_36 = arith.select %eq3A_34, %select_n3A_35, %select_n3A_32 : i32
      %add3A_37 = arith.addi %select_n3A_36, %mul3A_6 : i32
      "tpu.region"() ({
        %run_scoped3A_124 = tpu.sem_alloc : memref<!tpu.dma_semaphore, #tpu.memory_space<semaphore_mem>>
        tpu.enqueue_dma source(%arg2 : memref<1x32768xf32, #tpu.memory_space<hbm>>) target(%run_scoped3A : memref<1x32768xf32, #tpu.memory_space<vmem>>) target_semaphore(%run_scoped3A_124 : memref<!tpu.dma_semaphore, #tpu.memory_space<semaphore_mem>>)
        tpu.wait_dma2 semaphore(%run_scoped3A_124 : memref<!tpu.dma_semaphore, #tpu.memory_space<semaphore_mem>>) src(%arg2 : memref<1x32768xf32, #tpu.memory_space<hbm>>) dst(%run_scoped3A : memref<1x32768xf32, #tpu.memory_space<vmem>>)
        tpu.yield
      }) : () -> ()
      "tpu.trace_start"() <{level = 10 : i32, message = "ep_initialize_0"}> : () -> ()
      %rem3A = arith.constant 0 : i32
      %rem3A_38 = arith.constant 2 : i32
      %rem3A_39 = arith.remui %rem3A, %rem3A_38 : i32
      %mul3A_40 = arith.constant 512 : i32
      %mul3A_41 = arith.muli %mul3A_40, %add3A_12 : i32
      %dma_start3A = arith.constant 0 : i32
      %dma_start3A_42 = arith.constant 0 : i32
      %dma_start3A_43 = tpu.memref_slice %run_scoped3A_7[%rem3A_39, %dma_start3A, %dma_start3A_42] : memref<2x1x512xi32, #tpu.memory_space<vmem>> -> memref<1x1x512xi32, #tpu.memory_space<vmem>>
      %dma_start3A_44 = tpu.memref_squeeze %dma_start3A_43 : memref<1x1x512xi32, #tpu.memory_space<vmem>> -> memref<1x512xi32, #tpu.memory_space<vmem>>
      %dma_start3A_45 = arith.constant 0 : i32
      %dma_start3A_46 = tpu.memref_slice %arg3[%dma_start3A_45, %mul3A_41] : memref<1x262144xi32, #tpu.memory_space<hbm>> -> memref<1x512xi32, #tpu.memory_space<hbm>>
      %dma_start3A_47 = tpu.memref_slice %run_scoped3A_8[%rem3A_39] : memref<2x!tpu.dma_semaphore, #tpu.memory_space<semaphore_mem>> -> memref<1x!tpu.dma_semaphore, #tpu.memory_space<semaphore_mem>>
      %dma_start3A_48 = tpu.memref_squeeze %dma_start3A_47 : memref<1x!tpu.dma_semaphore, #tpu.memory_space<semaphore_mem>> -> memref<!tpu.dma_semaphore, #tpu.memory_space<semaphore_mem>>
      %dma_start3A_49 = arith.constant 0 : i32
      %dma_start3A_50 = arith.constant 0 : i32
      %dma_start3A_51 = tpu.memref_slice %run_scoped3A_7[%rem3A_39, %dma_start3A_49, %dma_start3A_50] : memref<2x1x512xi32, #tpu.memory_space<vmem>> -> memref<1x1x512xi32, #tpu.memory_space<vmem>>
      %dma_start3A_52 = tpu.memref_squeeze %dma_start3A_51 : memref<1x1x512xi32, #tpu.memory_space<vmem>> -> memref<1x512xi32, #tpu.memory_space<vmem>>
      %dma_start3A_53 = arith.constant 0 : i32
      %dma_start3A_54 = tpu.memref_slice %arg3[%dma_start3A_53, %mul3A_41] : memref<1x262144xi32, #tpu.memory_space<hbm>> -> memref<1x512xi32, #tpu.memory_space<hbm>>
      tpu.enqueue_dma source(%dma_start3A_54 : memref<1x512xi32, #tpu.memory_space<hbm>>) target(%dma_start3A_52 : memref<1x512xi32, #tpu.memory_space<vmem>>) target_semaphore(%dma_start3A_48 : memref<!tpu.dma_semaphore, #tpu.memory_space<semaphore_mem>>)
      %add3A_55 = arith.constant 0 : i32
      %add3A_56 = arith.constant 1 : i32
      %add3A_57 = arith.addi %add3A_55, %add3A_56 : i32
      %select_n3A_58 = arith.constant true
      %select_n3A_59 = arith.constant 0 : i32
      %select_n3A_60 = arith.select %select_n3A_58, %add3A_57, %select_n3A_59 : i32
      "tpu.trace_stop"() : () -> ()
      %scan3A = arith.constant 0 : i32
      %scan3A_61 = arith.constant 0 : i32
      %scan3A_62 = arith.constant 0 : i32
      %scan3A_63 = arith.constant 0 : i32
      %scan3A_64 = arith.constant 0 : i32
      %scan3A_65 = arith.constant 0 : i32
      %scan3A_66 = arith.constant 0 : i32
      %scan3A_67 = arith.constant 16 : i32
      %scan3A_68 = arith.addi %scan3A_66, %scan3A_67 : i32
      %scan3A_69 = arith.constant 1 : i32
      %scan3A_70:6 = scf.for %scan3A_124 = %scan3A_66 to %scan3A_68 step %scan3A_69 iter_args(%scan3A_125 = %scan3A_61, %scan3A_126 = %select_n3A_60, %scan3A_127 = %scan3A_62, %scan3A_128 = %scan3A_63, %scan3A_129 = %scan3A_64, %scan3A_130 = %scan3A_65) -> (i32, i32, i32, i32, i32, i32)  : i32 {
        %eq3A_131 = arith.constant 0 : i32
        %eq3A_132 = arith.cmpi eq, %scan3A_124, %eq3A_131 : i32
        %eq3A_133 = arith.constant 15 : i32
        %eq3A_134 = arith.cmpi eq, %scan3A_124, %eq3A_133 : i32
        %add3A_135 = arith.addi %scan3A_130, %mul3A_6 : i32
        %sub3A_136 = arith.constant 1 : i32
        %sub3A_137 = arith.subi %scan3A_130, %sub3A_136 : i32
        %select_n3A_138 = arith.constant true
        %select_n3A_139 = arith.select %select_n3A_138, %sub3A_137, %scan3A_130 : i32
        %eq3A_140 = arith.constant -1 : i32
        %eq3A_141 = arith.cmpi eq, %select_n3A_139, %eq3A_140 : i32
        %select_n3A_142 = arith.constant 15 : i32
        %select_n3A_143 = arith.select %eq3A_141, %select_n3A_142, %select_n3A_139 : i32
        %add3A_144 = arith.addi %select_n3A_143, %mul3A_6 : i32
        %add3A_145 = arith.constant 1 : i32
        %add3A_146 = arith.addi %scan3A_130, %add3A_145 : i32
        %select_n3A_147 = arith.constant true
        %select_n3A_148 = arith.select %select_n3A_147, %add3A_146, %scan3A_130 : i32
        %eq3A_149 = arith.constant 16 : i32
        %eq3A_150 = arith.cmpi eq, %select_n3A_148, %eq3A_149 : i32
        %select_n3A_151 = arith.constant 0 : i32
        %select_n3A_152 = arith.select %eq3A_150, %select_n3A_151, %select_n3A_148 : i32
        %add3A_153 = arith.addi %select_n3A_152, %mul3A_6 : i32
        %add3A_154 = arith.constant 1 : i32
        %add3A_155 = arith.addi %select_n3A_152, %add3A_154 : i32
        %select_n3A_156 = arith.constant true
        %select_n3A_157 = arith.select %select_n3A_156, %add3A_155, %select_n3A_152 : i32
        %eq3A_158 = arith.constant 16 : i32
        %eq3A_159 = arith.cmpi eq, %select_n3A_157, %eq3A_158 : i32
        %select_n3A_160 = arith.constant 0 : i32
        %select_n3A_161 = arith.select %eq3A_159, %select_n3A_160, %select_n3A_157 : i32
        %add3A_162 = arith.addi %select_n3A_161, %mul3A_6 : i32
        %ne3A = arith.cmpi ne, %add3A_135, %add3A_153 : i32
        %or3A = arith.constant false
        %or3A_163 = arith.ori %or3A, %ne3A : i1
        %ge3A = arith.constant 15 : i32
        %ge3A_164 = arith.cmpi sge, %scan3A_124, %ge3A : i32
        %not3A = arith.constant true
        %not3A_165 = arith.xori %ge3A_164, %not3A : i1
        %and3A = arith.andi %or3A_163, %not3A_165 : i1
        %convert_element_type3A = arith.extui %and3A : i1 to i32
        %cond3A = arith.constant 0 : i32
        %cond3A_166 = arith.cmpi ne, %convert_element_type3A, %cond3A : i32
        scf.if %cond3A_166 {
          "tpu.trace_start"() <{level = 10 : i32, message = "ep_copy_in"}> : () -> ()
          %rem3A_269 = arith.constant 2 : i32
          %rem3A_270 = arith.remui %scan3A_126, %rem3A_269 : i32
          %mul3A_271 = arith.constant 512 : i32
          %mul3A_272 = arith.muli %mul3A_271, %add3A_153 : i32
          %dma_start3A_273 = arith.constant 0 : i32
          %dma_start3A_274 = arith.constant 0 : i32
          %dma_start3A_275 = tpu.memref_slice %run_scoped3A_7[%rem3A_270, %dma_start3A_273, %dma_start3A_274] : memref<2x1x512xi32, #tpu.memory_space<vmem>> -> memref<1x1x512xi32, #tpu.memory_space<vmem>>
          %dma_start3A_276 = tpu.memref_squeeze %dma_start3A_275 : memref<1x1x512xi32, #tpu.memory_space<vmem>> -> memref<1x512xi32, #tpu.memory_space<vmem>>
          %dma_start3A_277 = arith.constant 0 : i32
          %dma_start3A_278 = tpu.memref_slice %arg3[%dma_start3A_277, %mul3A_272] : memref<1x262144xi32, #tpu.memory_space<hbm>> -> memref<1x512xi32, #tpu.memory_space<hbm>>
          %dma_start3A_279 = tpu.memref_slice %run_scoped3A_8[%rem3A_270] : memref<2x!tpu.dma_semaphore, #tpu.memory_space<semaphore_mem>> -> memref<1x!tpu.dma_semaphore, #tpu.memory_space<semaphore_mem>>
          %dma_start3A_280 = tpu.memref_squeeze %dma_start3A_279 : memref<1x!tpu.dma_semaphore, #tpu.memory_space<semaphore_mem>> -> memref<!tpu.dma_semaphore, #tpu.memory_space<semaphore_mem>>
          %dma_start3A_281 = arith.constant 0 : i32
          %dma_start3A_282 = arith.constant 0 : i32
          %dma_start3A_283 = tpu.memref_slice %run_scoped3A_7[%rem3A_270, %dma_start3A_281, %dma_start3A_282] : memref<2x1x512xi32, #tpu.memory_space<vmem>> -> memref<1x1x512xi32, #tpu.memory_space<vmem>>
          %dma_start3A_284 = tpu.memref_squeeze %dma_start3A_283 : memref<1x1x512xi32, #tpu.memory_space<vmem>> -> memref<1x512xi32, #tpu.memory_space<vmem>>
          %dma_start3A_285 = arith.constant 0 : i32
          %dma_start3A_286 = tpu.memref_slice %arg3[%dma_start3A_285, %mul3A_272] : memref<1x262144xi32, #tpu.memory_space<hbm>> -> memref<1x512xi32, #tpu.memory_space<hbm>>
          tpu.enqueue_dma source(%dma_start3A_286 : memref<1x512xi32, #tpu.memory_space<hbm>>) target(%dma_start3A_284 : memref<1x512xi32, #tpu.memory_space<vmem>>) target_semaphore(%dma_start3A_280 : memref<!tpu.dma_semaphore, #tpu.memory_space<semaphore_mem>>)
          "tpu.trace_stop"() : () -> ()
        } else {
        }
        %and3A_167 = arith.constant true
        %and3A_168 = arith.andi %and3A, %and3A_167 : i1
        %add3A_169 = arith.constant 1 : i32
        %add3A_170 = arith.addi %scan3A_126, %add3A_169 : i32
        %select_n3A_171 = arith.select %and3A_168, %add3A_170, %scan3A_126 : i32
        %ne3A_172 = arith.cmpi ne, %add3A_135, %add3A_153 : i32
        %or3A_173 = arith.constant false
        %or3A_174 = arith.ori %or3A_173, %ne3A_172 : i1
        %ge3A_175 = arith.constant 15 : i32
        %ge3A_176 = arith.cmpi sge, %scan3A_124, %ge3A_175 : i32
        %not3A_177 = arith.constant true
        %not3A_178 = arith.xori %ge3A_176, %not3A_177 : i1
        %and3A_179 = arith.andi %or3A_174, %not3A_178 : i1
        %ne3A_180 = arith.cmpi ne, %add3A_135, %add3A_144 : i32
        %or3A_181 = arith.constant false
        %or3A_182 = arith.ori %or3A_181, %ne3A_180 : i1
        %or3A_183 = arith.ori %or3A_182, %eq3A_132 : i1
        %convert_element_type3A_184 = arith.extui %or3A_183 : i1 to i32
        %cond3A_185 = arith.constant 0 : i32
        %cond3A_186 = arith.cmpi ne, %convert_element_type3A_184, %cond3A_185 : i32
        scf.if %cond3A_186 {
          "tpu.trace_start"() <{level = 10 : i32, message = "ep_wait_in"}> : () -> ()
          %mul3A_269 = arith.constant 512 : i32
          %mul3A_270 = arith.muli %mul3A_269, %add3A_135 : i32
          %rem3A_271 = arith.constant 2 : i32
          %rem3A_272 = arith.remui %scan3A_127, %rem3A_271 : i32
          %dma_wait3A_273 = arith.constant 0 : i32
          %dma_wait3A_274 = arith.constant 0 : i32
          %dma_wait3A_275 = tpu.memref_slice %run_scoped3A_7[%rem3A_272, %dma_wait3A_273, %dma_wait3A_274] : memref<2x1x512xi32, #tpu.memory_space<vmem>> -> memref<1x1x512xi32, #tpu.memory_space<vmem>>
          %dma_wait3A_276 = tpu.memref_squeeze %dma_wait3A_275 : memref<1x1x512xi32, #tpu.memory_space<vmem>> -> memref<1x512xi32, #tpu.memory_space<vmem>>
          %dma_wait3A_277 = arith.constant 0 : i32
          %dma_wait3A_278 = tpu.memref_slice %arg3[%dma_wait3A_277, %mul3A_270] : memref<1x262144xi32, #tpu.memory_space<hbm>> -> memref<1x512xi32, #tpu.memory_space<hbm>>
          %dma_wait3A_279 = tpu.memref_slice %run_scoped3A_8[%rem3A_272] : memref<2x!tpu.dma_semaphore, #tpu.memory_space<semaphore_mem>> -> memref<1x!tpu.dma_semaphore, #tpu.memory_space<semaphore_mem>>
          %dma_wait3A_280 = tpu.memref_squeeze %dma_wait3A_279 : memref<1x!tpu.dma_semaphore, #tpu.memory_space<semaphore_mem>> -> memref<!tpu.dma_semaphore, #tpu.memory_space<semaphore_mem>>
          %dma_wait3A_281 = arith.constant 0 : i32
          %dma_wait3A_282 = arith.constant 0 : i32
          %dma_wait3A_283 = tpu.memref_slice %run_scoped3A_7[%rem3A_272, %dma_wait3A_281, %dma_wait3A_282] : memref<2x1x512xi32, #tpu.memory_space<vmem>> -> memref<1x1x512xi32, #tpu.memory_space<vmem>>
          %dma_wait3A_284 = tpu.memref_squeeze %dma_wait3A_283 : memref<1x1x512xi32, #tpu.memory_space<vmem>> -> memref<1x512xi32, #tpu.memory_space<vmem>>
          %dma_wait3A_285 = arith.constant 0 : i32
          %dma_wait3A_286 = tpu.memref_slice %arg3[%dma_wait3A_285, %mul3A_270] : memref<1x262144xi32, #tpu.memory_space<hbm>> -> memref<1x512xi32, #tpu.memory_space<hbm>>
          tpu.wait_dma2 semaphore(%dma_wait3A_280 : memref<!tpu.dma_semaphore, #tpu.memory_space<semaphore_mem>>) src(%dma_wait3A_286 : memref<1x512xi32, #tpu.memory_space<hbm>>) dst(%dma_wait3A_284 : memref<1x512xi32, #tpu.memory_space<vmem>>)
          "tpu.trace_stop"() : () -> ()
        } else {
        }
        %ne3A_187 = arith.cmpi ne, %add3A_135, %add3A_144 : i32
        %or3A_188 = arith.constant false
        %or3A_189 = arith.ori %or3A_188, %ne3A_187 : i1
        %or3A_190 = arith.ori %or3A_189, %eq3A_132 : i1
        %convert_element_type3A_191 = arith.extui %or3A_190 : i1 to i32
        %cond3A_192 = arith.constant 0 : i32
        %cond3A_193 = arith.cmpi ne, %convert_element_type3A_191, %cond3A_192 : i32
        scf.if %cond3A_193 {
        } else {
        }
        %rem3A_194 = arith.constant 2 : i32
        %rem3A_195 = arith.remui %scan3A_127, %rem3A_194 : i32
        %rem3A_196 = arith.constant 2 : i32
        %rem3A_197 = arith.remui %scan3A_128, %rem3A_196 : i32
        "tpu.trace_start"() <{level = 10 : i32, message = "ep_run_kernel"}> : () -> ()
        %iota3A = tpu.iota {dimensions = array<i32: 0>} : vector<16xi32>
        %scan3A_198 = arith.constant 0 : i32
        %scan3A_199 = arith.constant 32 : i32
        %scan3A_200 = arith.addi %scan3A_198, %scan3A_199 : i32
        %scan3A_201 = arith.constant 1 : i32
        scf.for %scan3A_269 = %scan3A_198 to %scan3A_200 step %scan3A_201  : i32 {
          %mul3A_270 = arith.constant 16 : i32
          %mul3A_271 = arith.muli %scan3A_269, %mul3A_270 : i32
          %add3A_272 = arith.constant 0 : i32
          %add3A_273 = arith.addi %add3A_272, %mul3A_271 : i32
          %get3A = arith.constant 0 : i32
          %get3A_274 = arith.constant 0 : i32
          %get3A_275 = arith.constant 0 : i32
          %get3A_276 = tpu.memref_slice %run_scoped3A_7[%rem3A_195, %get3A_274, %get3A_275] : memref<2x1x512xi32, #tpu.memory_space<vmem>> -> memref<1x1x512xi32, #tpu.memory_space<vmem>>
          %get3A_277 = tpu.memref_squeeze %get3A_276 : memref<1x1x512xi32, #tpu.memory_space<vmem>> -> memref<1x512xi32, #tpu.memory_space<vmem>>
          %get3A_278 = arith.index_cast %get3A : i32 to index
          %get3A_279 = arith.index_cast %add3A_273 : i32 to index
          %get3A_280 = tpu.vector_load %get3A_277[%get3A_278, %get3A_279] {strides = array<i32>} : memref<1x512xi32, #tpu.memory_space<vmem>>, vector<16xi32>,
          %mul3A_281 = arith.constant 4 : i32
          %mul3A_282 = vector.broadcast %mul3A_281 : i32 to vector<16xi32>
          %mul3A_283 = arith.muli %get3A_280, %mul3A_282 : vector<16xi32>
          %add3A_284 = vector.broadcast %add3A_273 : i32 to vector<16xi32>
          %add3A_285 = arith.addi %add3A_284, %iota3A : vector<16xi32>
          %mul3A_286 = arith.constant 4 : i32
          %mul3A_287 = vector.broadcast %mul3A_286 : i32 to vector<16xi32>
          %mul3A_288 = arith.muli %add3A_285, %mul3A_287 : vector<16xi32>
          %add3A_289 = arith.constant 0 : i32
          %add3A_290 = vector.broadcast %add3A_289 : i32 to vector<16xi32>
          %add3A_291 = arith.addi %mul3A_283, %add3A_290 : vector<16xi32>
          %gather3A = arith.constant 0 : i32
          %gather3A_292 = arith.constant 0 : i32
          %gather3A_293 = tpu.memref_slice %run_scoped3A[%gather3A, %gather3A_292] : memref<1x32768xf32, #tpu.memory_space<vmem>> -> memref<1x32768xf32, #tpu.memory_space<vmem>>
          %gather3A_294 = tpu.memref_squeeze %gather3A_293 : memref<1x32768xf32, #tpu.memory_space<vmem>> -> memref<32768xf32, #tpu.memory_space<vmem>>
          %gather3A_295 = tpu.vector_load_idx %gather3A_294[%add3A_291] : memref<32768xf32, #tpu.memory_space<vmem>>[vector<16xi32>], vector<16xf32>,
          %add3A_296 = arith.constant 0 : i32
          %add3A_297 = vector.broadcast %add3A_296 : i32 to vector<16xi32>
          %add3A_298 = arith.addi %mul3A_288, %add3A_297 : vector<16xi32>
          %scatter3A = arith.constant 0 : i32
          %scatter3A_299 = arith.constant 0 : i32
          %scatter3A_300 = arith.constant 0 : i32
          %scatter3A_301 = tpu.memref_slice %run_scoped3A_9[%rem3A_197, %scatter3A_299, %scatter3A_300] : memref<2x1x2048xf32, #tpu.memory_space<vmem>> -> memref<1x1x2048xf32, #tpu.memory_space<vmem>>
          %scatter3A_302 = tpu.memref_squeeze %scatter3A_301 : memref<1x1x2048xf32, #tpu.memory_space<vmem>> -> memref<1x2048xf32, #tpu.memory_space<vmem>>
          %scatter3A_303 = arith.constant 0 : i32
          %scatter3A_304 = tpu.memref_slice %scatter3A_302[%scatter3A, %scatter3A_303] : memref<1x2048xf32, #tpu.memory_space<vmem>> -> memref<1x2048xf32, #tpu.memory_space<vmem>>
          %scatter3A_305 = tpu.memref_squeeze %scatter3A_304 : memref<1x2048xf32, #tpu.memory_space<vmem>> -> memref<2048xf32, #tpu.memory_space<vmem>>
          tpu.vector_store_idx %scatter3A_305[%add3A_298], %gather3A_295 : memref<2048xf32, #tpu.memory_space<vmem>>[vector<16xi32>], vector<16xf32>,
          %add3A_306 = arith.constant 1 : i32
          %add3A_307 = vector.broadcast %add3A_306 : i32 to vector<16xi32>
          %add3A_308 = arith.addi %mul3A_283, %add3A_307 : vector<16xi32>
          %gather3A_309 = arith.constant 0 : i32
          %gather3A_310 = arith.constant 0 : i32
          %gather3A_311 = tpu.memref_slice %run_scoped3A[%gather3A_309, %gather3A_310] : memref<1x32768xf32, #tpu.memory_space<vmem>> -> memref<1x32768xf32, #tpu.memory_space<vmem>>
          %gather3A_312 = tpu.memref_squeeze %gather3A_311 : memref<1x32768xf32, #tpu.memory_space<vmem>> -> memref<32768xf32, #tpu.memory_space<vmem>>
          %gather3A_313 = tpu.vector_load_idx %gather3A_312[%add3A_308] : memref<32768xf32, #tpu.memory_space<vmem>>[vector<16xi32>], vector<16xf32>,
          %add3A_314 = arith.constant 1 : i32
          %add3A_315 = vector.broadcast %add3A_314 : i32 to vector<16xi32>
          %add3A_316 = arith.addi %mul3A_288, %add3A_315 : vector<16xi32>
          %scatter3A_317 = arith.constant 0 : i32
          %scatter3A_318 = arith.constant 0 : i32
          %scatter3A_319 = arith.constant 0 : i32
          %scatter3A_320 = tpu.memref_slice %run_scoped3A_9[%rem3A_197, %scatter3A_318, %scatter3A_319] : memref<2x1x2048xf32, #tpu.memory_space<vmem>> -> memref<1x1x2048xf32, #tpu.memory_space<vmem>>
          %scatter3A_321 = tpu.memref_squeeze %scatter3A_320 : memref<1x1x2048xf32, #tpu.memory_space<vmem>> -> memref<1x2048xf32, #tpu.memory_space<vmem>>
          %scatter3A_322 = arith.constant 0 : i32
          %scatter3A_323 = tpu.memref_slice %scatter3A_321[%scatter3A_317, %scatter3A_322] : memref<1x2048xf32, #tpu.memory_space<vmem>> -> memref<1x2048xf32, #tpu.memory_space<vmem>>
          %scatter3A_324 = tpu.memref_squeeze %scatter3A_323 : memref<1x2048xf32, #tpu.memory_space<vmem>> -> memref<2048xf32, #tpu.memory_space<vmem>>
          tpu.vector_store_idx %scatter3A_324[%add3A_316], %gather3A_313 : memref<2048xf32, #tpu.memory_space<vmem>>[vector<16xi32>], vector<16xf32>,
          %add3A_325 = arith.constant 2 : i32
          %add3A_326 = vector.broadcast %add3A_325 : i32 to vector<16xi32>
          %add3A_327 = arith.addi %mul3A_283, %add3A_326 : vector<16xi32>
          %gather3A_328 = arith.constant 0 : i32
          %gather3A_329 = arith.constant 0 : i32
          %gather3A_330 = tpu.memref_slice %run_scoped3A[%gather3A_328, %gather3A_329] : memref<1x32768xf32, #tpu.memory_space<vmem>> -> memref<1x32768xf32, #tpu.memory_space<vmem>>
          %gather3A_331 = tpu.memref_squeeze %gather3A_330 : memref<1x32768xf32, #tpu.memory_space<vmem>> -> memref<32768xf32, #tpu.memory_space<vmem>>
          %gather3A_332 = tpu.vector_load_idx %gather3A_331[%add3A_327] : memref<32768xf32, #tpu.memory_space<vmem>>[vector<16xi32>], vector<16xf32>,
          %add3A_333 = arith.constant 2 : i32
          %add3A_334 = vector.broadcast %add3A_333 : i32 to vector<16xi32>
          %add3A_335 = arith.addi %mul3A_288, %add3A_334 : vector<16xi32>
          %scatter3A_336 = arith.constant 0 : i32
          %scatter3A_337 = arith.constant 0 : i32
          %scatter3A_338 = arith.constant 0 : i32
          %scatter3A_339 = tpu.memref_slice %run_scoped3A_9[%rem3A_197, %scatter3A_337, %scatter3A_338] : memref<2x1x2048xf32, #tpu.memory_space<vmem>> -> memref<1x1x2048xf32, #tpu.memory_space<vmem>>
          %scatter3A_340 = tpu.memref_squeeze %scatter3A_339 : memref<1x1x2048xf32, #tpu.memory_space<vmem>> -> memref<1x2048xf32, #tpu.memory_space<vmem>>
          %scatter3A_341 = arith.constant 0 : i32
          %scatter3A_342 = tpu.memref_slice %scatter3A_340[%scatter3A_336, %scatter3A_341] : memref<1x2048xf32, #tpu.memory_space<vmem>> -> memref<1x2048xf32, #tpu.memory_space<vmem>>
          %scatter3A_343 = tpu.memref_squeeze %scatter3A_342 : memref<1x2048xf32, #tpu.memory_space<vmem>> -> memref<2048xf32, #tpu.memory_space<vmem>>
          tpu.vector_store_idx %scatter3A_343[%add3A_335], %gather3A_332 : memref<2048xf32, #tpu.memory_space<vmem>>[vector<16xi32>], vector<16xf32>,
          %add3A_344 = arith.constant 3 : i32
          %add3A_345 = vector.broadcast %add3A_344 : i32 to vector<16xi32>
          %add3A_346 = arith.addi %mul3A_283, %add3A_345 : vector<16xi32>
          %gather3A_347 = arith.constant 0 : i32
          %gather3A_348 = arith.constant 0 : i32
          %gather3A_349 = tpu.memref_slice %run_scoped3A[%gather3A_347, %gather3A_348] : memref<1x32768xf32, #tpu.memory_space<vmem>> -> memref<1x32768xf32, #tpu.memory_space<vmem>>
          %gather3A_350 = tpu.memref_squeeze %gather3A_349 : memref<1x32768xf32, #tpu.memory_space<vmem>> -> memref<32768xf32, #tpu.memory_space<vmem>>
          %gather3A_351 = tpu.vector_load_idx %gather3A_350[%add3A_346] : memref<32768xf32, #tpu.memory_space<vmem>>[vector<16xi32>], vector<16xf32>,
          %add3A_352 = arith.constant 3 : i32
          %add3A_353 = vector.broadcast %add3A_352 : i32 to vector<16xi32>
          %add3A_354 = arith.addi %mul3A_288, %add3A_353 : vector<16xi32>
          %scatter3A_355 = arith.constant 0 : i32
          %scatter3A_356 = arith.constant 0 : i32
          %scatter3A_357 = arith.constant 0 : i32
          %scatter3A_358 = tpu.memref_slice %run_scoped3A_9[%rem3A_197, %scatter3A_356, %scatter3A_357] : memref<2x1x2048xf32, #tpu.memory_space<vmem>> -> memref<1x1x2048xf32, #tpu.memory_space<vmem>>
          %scatter3A_359 = tpu.memref_squeeze %scatter3A_358 : memref<1x1x2048xf32, #tpu.memory_space<vmem>> -> memref<1x2048xf32, #tpu.memory_space<vmem>>
          %scatter3A_360 = arith.constant 0 : i32
          %scatter3A_361 = tpu.memref_slice %scatter3A_359[%scatter3A_355, %scatter3A_360] : memref<1x2048xf32, #tpu.memory_space<vmem>> -> memref<1x2048xf32, #tpu.memory_space<vmem>>
          %scatter3A_362 = tpu.memref_squeeze %scatter3A_361 : memref<1x2048xf32, #tpu.memory_space<vmem>> -> memref<2048xf32, #tpu.memory_space<vmem>>
          tpu.vector_store_idx %scatter3A_362[%add3A_354], %gather3A_351 : memref<2048xf32, #tpu.memory_space<vmem>>[vector<16xi32>], vector<16xf32>,
        }
        %scan3A_202 = arith.constant 32 : i32
        "tpu.trace_stop"() : () -> ()
        %ne3A_203 = arith.cmpi ne, %add3A_135, %add3A_153 : i32
        %or3A_204 = arith.constant false
        %or3A_205 = arith.ori %or3A_204, %ne3A_203 : i1
        %or3A_206 = arith.ori %or3A_205, %eq3A_134 : i1
        %convert_element_type3A_207 = arith.extui %or3A_206 : i1 to i32
        %cond3A_208 = arith.constant 0 : i32
        %cond3A_209 = arith.cmpi ne, %convert_element_type3A_207, %cond3A_208 : i32
        scf.if %cond3A_209 {
        } else {
        }
        %and3A_210 = arith.constant false
        %and3A_211 = arith.andi %or3A_206, %and3A_210 : i1
        %ne3A_212 = arith.cmpi ne, %add3A_135, %add3A_153 : i32
        %or3A_213 = arith.constant false
        %or3A_214 = arith.ori %or3A_213, %ne3A_212 : i1
        %or3A_215 = arith.ori %or3A_214, %eq3A_134 : i1
        %convert_element_type3A_216 = arith.extui %or3A_215 : i1 to i32
        %cond3A_217 = arith.constant 0 : i32
        %cond3A_218 = arith.cmpi ne, %convert_element_type3A_216, %cond3A_217 : i32
        scf.if %cond3A_218 {
          "tpu.trace_start"() <{level = 10 : i32, message = "ep_copy_out"}> : () -> ()
          %rem3A_269 = arith.constant 2 : i32
          %rem3A_270 = arith.remui %scan3A_128, %rem3A_269 : i32
          %mul3A_271 = arith.constant 2048 : i32
          %mul3A_272 = arith.muli %mul3A_271, %add3A_135 : i32
          %dma_start3A_273 = arith.constant 0 : i32
          %dma_start3A_274 = arith.constant 0 : i32
          %dma_start3A_275 = tpu.memref_slice %run_scoped3A_9[%rem3A_270, %dma_start3A_273, %dma_start3A_274] : memref<2x1x2048xf32, #tpu.memory_space<vmem>> -> memref<1x1x2048xf32, #tpu.memory_space<vmem>>
          %dma_start3A_276 = tpu.memref_squeeze %dma_start3A_275 : memref<1x1x2048xf32, #tpu.memory_space<vmem>> -> memref<1x2048xf32, #tpu.memory_space<vmem>>
          %dma_start3A_277 = arith.constant 0 : i32
          %dma_start3A_278 = tpu.memref_slice %arg4[%dma_start3A_277, %mul3A_272] : memref<1x1048576xf32, #tpu.memory_space<hbm>> -> memref<1x2048xf32, #tpu.memory_space<hbm>>
          %dma_start3A_279 = tpu.memref_slice %run_scoped3A_10[%rem3A_270] : memref<2x!tpu.dma_semaphore, #tpu.memory_space<semaphore_mem>> -> memref<1x!tpu.dma_semaphore, #tpu.memory_space<semaphore_mem>>
          %dma_start3A_280 = tpu.memref_squeeze %dma_start3A_279 : memref<1x!tpu.dma_semaphore, #tpu.memory_space<semaphore_mem>> -> memref<!tpu.dma_semaphore, #tpu.memory_space<semaphore_mem>>
          %dma_start3A_281 = arith.constant 0 : i32
          %dma_start3A_282 = tpu.memref_slice %arg4[%dma_start3A_281, %mul3A_272] : memref<1x1048576xf32, #tpu.memory_space<hbm>> -> memref<1x2048xf32, #tpu.memory_space<hbm>>
          %dma_start3A_283 = arith.constant 0 : i32
          %dma_start3A_284 = arith.constant 0 : i32
          %dma_start3A_285 = tpu.memref_slice %run_scoped3A_9[%rem3A_270, %dma_start3A_283, %dma_start3A_284] : memref<2x1x2048xf32, #tpu.memory_space<vmem>> -> memref<1x1x2048xf32, #tpu.memory_space<vmem>>
          %dma_start3A_286 = tpu.memref_squeeze %dma_start3A_285 : memref<1x1x2048xf32, #tpu.memory_space<vmem>> -> memref<1x2048xf32, #tpu.memory_space<vmem>>
          tpu.enqueue_dma source(%dma_start3A_286 : memref<1x2048xf32, #tpu.memory_space<vmem>>) target(%dma_start3A_282 : memref<1x2048xf32, #tpu.memory_space<hbm>>) target_semaphore(%dma_start3A_280 : memref<!tpu.dma_semaphore, #tpu.memory_space<semaphore_mem>>)
          "tpu.trace_stop"() : () -> ()
        } else {
        }
        %and3A_219 = arith.constant true
        %and3A_220 = arith.andi %or3A_215, %and3A_219 : i1
        %add3A_221 = arith.constant 1 : i32
        %add3A_222 = arith.addi %scan3A_128, %add3A_221 : i32
        %select_n3A_223 = arith.select %and3A_220, %add3A_222, %scan3A_128 : i32
        %ne3A_224 = arith.cmpi ne, %add3A_135, %add3A_144 : i32
        %or3A_225 = arith.constant false
        %or3A_226 = arith.ori %or3A_225, %ne3A_224 : i1
        %not3A_227 = arith.constant true
        %not3A_228 = arith.xori %eq3A_132, %not3A_227 : i1
        %and3A_229 = arith.andi %or3A_226, %not3A_228 : i1
        %convert_element_type3A_230 = arith.extui %and3A_229 : i1 to i32
        %cond3A_231 = arith.constant 0 : i32
        %cond3A_232 = arith.cmpi ne, %convert_element_type3A_230, %cond3A_231 : i32
        scf.if %cond3A_232 {
        } else {
        }
        %and3A_233 = arith.constant false
        %and3A_234 = arith.andi %and3A_229, %and3A_233 : i1
        %ne3A_235 = arith.cmpi ne, %add3A_135, %add3A_144 : i32
        %or3A_236 = arith.constant false
        %or3A_237 = arith.ori %or3A_236, %ne3A_235 : i1
        %not3A_238 = arith.constant true
        %not3A_239 = arith.xori %eq3A_132, %not3A_238 : i1
        %and3A_240 = arith.andi %or3A_237, %not3A_239 : i1
        %convert_element_type3A_241 = arith.extui %and3A_240 : i1 to i32
        %cond3A_242 = arith.constant 0 : i32
        %cond3A_243 = arith.cmpi ne, %convert_element_type3A_241, %cond3A_242 : i32
        scf.if %cond3A_243 {
          "tpu.trace_start"() <{level = 10 : i32, message = "ep_wait_out"}> : () -> ()
          %rem3A_269 = arith.constant 2 : i32
          %rem3A_270 = arith.remui %scan3A_129, %rem3A_269 : i32
          %mul3A_271 = arith.constant 2048 : i32
          %mul3A_272 = arith.muli %mul3A_271, %add3A_144 : i32
          %dma_wait3A_273 = arith.constant 0 : i32
          %dma_wait3A_274 = arith.constant 0 : i32
          %dma_wait3A_275 = tpu.memref_slice %run_scoped3A_9[%rem3A_270, %dma_wait3A_273, %dma_wait3A_274] : memref<2x1x2048xf32, #tpu.memory_space<vmem>> -> memref<1x1x2048xf32, #tpu.memory_space<vmem>>
          %dma_wait3A_276 = tpu.memref_squeeze %dma_wait3A_275 : memref<1x1x2048xf32, #tpu.memory_space<vmem>> -> memref<1x2048xf32, #tpu.memory_space<vmem>>
          %dma_wait3A_277 = arith.constant 0 : i32
          %dma_wait3A_278 = tpu.memref_slice %arg4[%dma_wait3A_277, %mul3A_272] : memref<1x1048576xf32, #tpu.memory_space<hbm>> -> memref<1x2048xf32, #tpu.memory_space<hbm>>
          %dma_wait3A_279 = tpu.memref_slice %run_scoped3A_10[%rem3A_270] : memref<2x!tpu.dma_semaphore, #tpu.memory_space<semaphore_mem>> -> memref<1x!tpu.dma_semaphore, #tpu.memory_space<semaphore_mem>>
          %dma_wait3A_280 = tpu.memref_squeeze %dma_wait3A_279 : memref<1x!tpu.dma_semaphore, #tpu.memory_space<semaphore_mem>> -> memref<!tpu.dma_semaphore, #tpu.memory_space<semaphore_mem>>
          %dma_wait3A_281 = arith.constant 0 : i32
          %dma_wait3A_282 = tpu.memref_slice %arg4[%dma_wait3A_281, %mul3A_272] : memref<1x1048576xf32, #tpu.memory_space<hbm>> -> memref<1x2048xf32, #tpu.memory_space<hbm>>
          %dma_wait3A_283 = arith.constant 0 : i32
          %dma_wait3A_284 = arith.constant 0 : i32
          %dma_wait3A_285 = tpu.memref_slice %run_scoped3A_9[%rem3A_270, %dma_wait3A_283, %dma_wait3A_284] : memref<2x1x2048xf32, #tpu.memory_space<vmem>> -> memref<1x1x2048xf32, #tpu.memory_space<vmem>>
          %dma_wait3A_286 = tpu.memref_squeeze %dma_wait3A_285 : memref<1x1x2048xf32, #tpu.memory_space<vmem>> -> memref<1x2048xf32, #tpu.memory_space<vmem>>
          tpu.wait_dma2 semaphore(%dma_wait3A_280 : memref<!tpu.dma_semaphore, #tpu.memory_space<semaphore_mem>>) src(%dma_wait3A_286 : memref<1x2048xf32, #tpu.memory_space<vmem>>) dst(%dma_wait3A_282 : memref<1x2048xf32, #tpu.memory_space<hbm>>)
          "tpu.trace_stop"() : () -> ()
        } else {
        }
        %and3A_244 = arith.constant true
        %and3A_245 = arith.andi %and3A_240, %and3A_244 : i1
        %add3A_246 = arith.constant 1 : i32
        %add3A_247 = arith.addi %scan3A_129, %add3A_246 : i32
        %select_n3A_248 = arith.select %and3A_245, %add3A_247, %scan3A_129 : i32
        %or3A_249 = arith.constant false
        %or3A_250 = arith.ori %or3A_249, %eq3A_134 : i1
        %add3A_251 = arith.constant 1 : i32
        %add3A_252 = arith.addi %scan3A_125, %add3A_251 : i32
        %select_n3A_253 = arith.select %or3A_250, %add3A_252, %scan3A_125 : i32
        %ne3A_254 = arith.cmpi ne, %add3A_135, %add3A_153 : i32
        %or3A_255 = arith.constant false
        %or3A_256 = arith.ori %or3A_255, %ne3A_254 : i1
        %or3A_257 = arith.ori %or3A_256, %eq3A_134 : i1
        %add3A_258 = arith.constant 1 : i32
        %add3A_259 = arith.addi %scan3A_127, %add3A_258 : i32
        %select_n3A_260 = arith.select %or3A_257, %add3A_259, %scan3A_127 : i32
        %add3A_261 = arith.constant 1 : i32
        %add3A_262 = arith.addi %scan3A_130, %add3A_261 : i32
        %select_n3A_263 = arith.constant true
        %select_n3A_264 = arith.select %select_n3A_263, %add3A_262, %scan3A_130 : i32
        %eq3A_265 = arith.constant 16 : i32
        %eq3A_266 = arith.cmpi eq, %select_n3A_264, %eq3A_265 : i32
        %select_n3A_267 = arith.constant 0 : i32
        %select_n3A_268 = arith.select %eq3A_266, %select_n3A_267, %select_n3A_264 : i32
        scf.yield %select_n3A_253, %select_n3A_171, %select_n3A_260, %select_n3A_223, %select_n3A_248, %select_n3A_268 : i32, i32, i32, i32, i32, i32
      }
      %scan3A_71 = arith.constant 16 : i32
      %sub3A = arith.constant 1 : i32
      %sub3A_72 = arith.subi %scan3A_70#5, %sub3A : i32
      %select_n3A_73 = arith.constant true
      %select_n3A_74 = arith.select %select_n3A_73, %sub3A_72, %scan3A_70#5 : i32
      %eq3A_75 = arith.constant -1 : i32
      %eq3A_76 = arith.cmpi eq, %select_n3A_74, %eq3A_75 : i32
      %select_n3A_77 = arith.constant 15 : i32
      %select_n3A_78 = arith.select %eq3A_76, %select_n3A_77, %select_n3A_74 : i32
      %add3A_79 = arith.addi %select_n3A_78, %mul3A_6 : i32
      %sub3A_80 = arith.constant 1 : i32
      %sub3A_81 = arith.subi %select_n3A_78, %sub3A_80 : i32
      %select_n3A_82 = arith.constant true
      %select_n3A_83 = arith.select %select_n3A_82, %sub3A_81, %select_n3A_78 : i32
      %eq3A_84 = arith.constant -1 : i32
      %eq3A_85 = arith.cmpi eq, %select_n3A_83, %eq3A_84 : i32
      %select_n3A_86 = arith.constant 15 : i32
      %select_n3A_87 = arith.select %eq3A_85, %select_n3A_86, %select_n3A_83 : i32
      %add3A_88 = arith.addi %select_n3A_87, %mul3A_6 : i32
      %add3A_89 = arith.constant 1 : i32
      %add3A_90 = arith.addi %select_n3A_78, %add3A_89 : i32
      %select_n3A_91 = arith.constant true
      %select_n3A_92 = arith.select %select_n3A_91, %add3A_90, %select_n3A_78 : i32
      %eq3A_93 = arith.constant 16 : i32
      %eq3A_94 = arith.cmpi eq, %select_n3A_92, %eq3A_93 : i32
      %select_n3A_95 = arith.constant 0 : i32
      %select_n3A_96 = arith.select %eq3A_94, %select_n3A_95, %select_n3A_92 : i32
      %add3A_97 = arith.addi %select_n3A_96, %mul3A_6 : i32
      %add3A_98 = arith.constant 1 : i32
      %add3A_99 = arith.addi %select_n3A_96, %add3A_98 : i32
      %select_n3A_100 = arith.constant true
      %select_n3A_101 = arith.select %select_n3A_100, %add3A_99, %select_n3A_96 : i32
      %eq3A_102 = arith.constant 16 : i32
      %eq3A_103 = arith.cmpi eq, %select_n3A_101, %eq3A_102 : i32
      %select_n3A_104 = arith.constant 0 : i32
      %select_n3A_105 = arith.select %eq3A_103, %select_n3A_104, %select_n3A_101 : i32
      %add3A_106 = arith.addi %select_n3A_105, %mul3A_6 : i32
      "tpu.trace_start"() <{level = 10 : i32, message = "ep_finalize"}> : () -> ()
      %rem3A_107 = arith.constant 2 : i32
      %rem3A_108 = arith.remui %scan3A_70#4, %rem3A_107 : i32
      %mul3A_109 = arith.constant 2048 : i32
      %mul3A_110 = arith.muli %mul3A_109, %add3A_79 : i32
      %dma_wait3A = arith.constant 0 : i32
      %dma_wait3A_111 = arith.constant 0 : i32
      %dma_wait3A_112 = tpu.memref_slice %run_scoped3A_9[%rem3A_108, %dma_wait3A, %dma_wait3A_111] : memref<2x1x2048xf32, #tpu.memory_space<vmem>> -> memref<1x1x2048xf32, #tpu.memory_space<vmem>>
      %dma_wait3A_113 = tpu.memref_squeeze %dma_wait3A_112 : memref<1x1x2048xf32, #tpu.memory_space<vmem>> -> memref<1x2048xf32, #tpu.memory_space<vmem>>
      %dma_wait3A_114 = arith.constant 0 : i32
      %dma_wait3A_115 = tpu.memref_slice %arg4[%dma_wait3A_114, %mul3A_110] : memref<1x1048576xf32, #tpu.memory_space<hbm>> -> memref<1x2048xf32, #tpu.memory_space<hbm>>
      %dma_wait3A_116 = tpu.memref_slice %run_scoped3A_10[%rem3A_108] : memref<2x!tpu.dma_semaphore, #tpu.memory_space<semaphore_mem>> -> memref<1x!tpu.dma_semaphore, #tpu.memory_space<semaphore_mem>>
      %dma_wait3A_117 = tpu.memref_squeeze %dma_wait3A_116 : memref<1x!tpu.dma_semaphore, #tpu.memory_space<semaphore_mem>> -> memref<!tpu.dma_semaphore, #tpu.memory_space<semaphore_mem>>
      %dma_wait3A_118 = arith.constant 0 : i32
      %dma_wait3A_119 = tpu.memref_slice %arg4[%dma_wait3A_118, %mul3A_110] : memref<1x1048576xf32, #tpu.memory_space<hbm>> -> memref<1x2048xf32, #tpu.memory_space<hbm>>
      %dma_wait3A_120 = arith.constant 0 : i32
      %dma_wait3A_121 = arith.constant 0 : i32
      %dma_wait3A_122 = tpu.memref_slice %run_scoped3A_9[%rem3A_108, %dma_wait3A_120, %dma_wait3A_121] : memref<2x1x2048xf32, #tpu.memory_space<vmem>> -> memref<1x1x2048xf32, #tpu.memory_space<vmem>>
      %dma_wait3A_123 = tpu.memref_squeeze %dma_wait3A_122 : memref<1x1x2048xf32, #tpu.memory_space<vmem>> -> memref<1x2048xf32, #tpu.memory_space<vmem>>
      tpu.wait_dma2 semaphore(%dma_wait3A_117 : memref<!tpu.dma_semaphore, #tpu.memory_space<semaphore_mem>>) src(%dma_wait3A_123 : memref<1x2048xf32, #tpu.memory_space<vmem>>) dst(%dma_wait3A_119 : memref<1x2048xf32, #tpu.memory_space<hbm>>)
      "tpu.trace_stop"() : () -> ()
      tpu.yield
    }) : () -> ()
    return
  }
}

module attributes {stable_mosaic.version = 14 : i64} {
  func.func @_prep_body(%arg0: i32, %arg1: memref<8192x128xbf16, #tpu.memory_space<vmem>>, %arg2: memref<128x128xbf16, #tpu.memory_space<vmem>>, %arg3: memref<8192x129xbf16, #tpu.memory_space<vmem>>, %arg4: memref<8192x32xbf16, #tpu.memory_space<vmem>>, %arg5: memref<256x128xbf16, #tpu.memory_space<vmem>>, %arg6: memref<256x32xi32, #tpu.memory_space<vmem>>) attributes {dimension_semantics = [#tpu.dimension_semantics<arbitrary>], iteration_bounds = array<i64: 32>, scalar_prefetch = 0 : i64, scratch_operands = 0 : i64, tpu.core_type = #tpu.core_type<tc>, window_params = [{pipeline_mode = #tpu.pipeline_mode<synchronous>, transform_indices = @transform_0, window_bounds = array<i64: 8192, 128>}, {pipeline_mode = #tpu.pipeline_mode<synchronous>, transform_indices = @transform_1, window_bounds = array<i64: 128, 128>}, {pipeline_mode = #tpu.pipeline_mode<synchronous>, transform_indices = @transform_2, window_bounds = array<i64: 8192, 129>}, {pipeline_mode = #tpu.pipeline_mode<synchronous>, transform_indices = @transform_3, window_bounds = array<i64: 8192, 32>}, {transform_indices = @transform_4, window_bounds = array<i64: 256, 128>}, {transform_indices = @transform_5, window_bounds = array<i64: 256, 32>}]} {
    %mul3A = arith.constant 256 : i32
    %mul3A_0 = arith.muli %arg0, %mul3A : i32
    %get3A = arith.index_cast %mul3A_0 : i32 to index
    %get3A_1 = arith.constant 0 : index
    %get3A_2 = vector.load %arg1[%get3A, %get3A_1] : memref<8192x128xbf16, #tpu.memory_space<vmem>>, vector<256x128xbf16>
    %get3A_3 = arith.constant 0 : index
    %get3A_4 = arith.constant 0 : index
    %get3A_5 = vector.load %arg2[%get3A_3, %get3A_4] : memref<128x128xbf16, #tpu.memory_space<vmem>>, vector<128x128xbf16>
    %dot_general3A = arith.constant dense<0.000000e+00> : vector<256x128xf32>
    %dot_general3A_6 = tpu.matmul %get3A_2, %get3A_5, %dot_general3A {dimension_numbers = #tpu.dot_dimension_numbers<[1], [0], [0], [1], [0, 0, 1, 1], [], []>, transpose_lhs_hint = false} : vector<256x128xbf16>, vector<128x128xbf16>, vector<256x128xf32> -> vector<256x128xf32>
    %convert_element_type3A = arith.truncf %dot_general3A_6 : vector<256x128xf32> to vector<256x128xbf16>
    %swap3A = arith.constant 0 : index
    %swap3A_7 = arith.constant 0 : index
    %swap3A_8 = vector.load %arg5[%swap3A, %swap3A_7] : memref<256x128xbf16, #tpu.memory_space<vmem>>, vector<256x128xbf16>
    tpu.vector_store %arg5[%swap3A, %swap3A_7], %convert_element_type3A {strides = array<i32>} : memref<256x128xbf16, #tpu.memory_space<vmem>>, vector<256x128xbf16>,
    %broadcast_in_dim3A = arith.constant 1.000000e+00 : bf16
    %broadcast_in_dim3A_9 = vector.broadcast %broadcast_in_dim3A : bf16 to vector<256x1xbf16>
    %concatenate3A = tpu.concatenate %convert_element_type3A, %broadcast_in_dim3A_9 in 1 : vector<256x128xbf16>, vector<256x1xbf16> -> vector<256x129xbf16>
    %get3A_10 = arith.constant 0 : index
    %get3A_11 = arith.constant 0 : index
    %get3A_12 = vector.load %arg3[%get3A_10, %get3A_11] : memref<8192x129xbf16, #tpu.memory_space<vmem>>, vector<8192x129xbf16>
    %dot_general3A_13 = arith.constant dense<0.000000e+00> : vector<8192x256xf32>
    %dot_general3A_14 = tpu.matmul %get3A_12, %concatenate3A, %dot_general3A_13 {dimension_numbers = #tpu.dot_dimension_numbers<[1], [1], [0], [0], [0, 0, 1, 0], [], []>, transpose_lhs_hint = false} : vector<8192x129xbf16>, vector<256x129xbf16>, vector<8192x256xf32> -> vector<8192x256xf32>
    %reshape3A = vector.shape_cast %dot_general3A_14 : vector<8192x256xf32> to vector<32x256x256xf32>
    %reduce_min3A = arith.constant dense<0x7F800000> : vector<32x256xf32>
    %reduce_min3A_15 = vector.multi_reduction <minimumf>, %reshape3A, %reduce_min3A [1] : vector<32x256x256xf32> to vector<32x256xf32>
    %broadcast_in_dim3A_16 = vector.shape_cast %reduce_min3A_15 : vector<32x256xf32> to vector<32x1x256xf32>
    %eq3A = vector.broadcast %broadcast_in_dim3A_16 : vector<32x1x256xf32> to vector<32x256x256xf32>
    %eq3A_17 = arith.cmpf oeq, %reshape3A, %eq3A : vector<32x256x256xf32>
    %convert_element_type3A_18 = arith.extui %eq3A_17 : vector<32x256x256xi1> to vector<32x256x256xi32>
    %convert_element_type3A_19 = arith.sitofp %convert_element_type3A_18 : vector<32x256x256xi32> to vector<32x256x256xf32>
    %convert_element_type3A_20 = arith.truncf %convert_element_type3A_19 : vector<32x256x256xf32> to vector<32x256x256xbf16>
    %reshape3A_21 = vector.shape_cast %convert_element_type3A_20 : vector<32x256x256xbf16> to vector<8192x256xbf16>
    %get3A_22 = arith.constant 0 : index
    %get3A_23 = arith.constant 0 : index
    %get3A_24 = vector.load %arg4[%get3A_22, %get3A_23] : memref<8192x32xbf16, #tpu.memory_space<vmem>>, vector<8192x32xbf16>
    %dot_general3A_25 = arith.constant dense<0.000000e+00> : vector<256x32xf32>
    %dot_general3A_26 = tpu.matmul %reshape3A_21, %get3A_24, %dot_general3A_25 {dimension_numbers = #tpu.dot_dimension_numbers<[0], [0], [1], [1], [0, 1, 1, 1], [], []>, transpose_lhs_hint = false} : vector<8192x256xbf16>, vector<8192x32xbf16>, vector<256x32xf32> -> vector<256x32xf32>
    %convert_element_type3A_27 = arith.fptosi %dot_general3A_26 : vector<256x32xf32> to vector<256x32xi32>
    %min3A = arith.constant 255 : i32
    %min3A_28 = vector.broadcast %min3A : i32 to vector<256x32xi32>
    %min3A_29 = arith.minsi %convert_element_type3A_27, %min3A_28 : vector<256x32xi32>
    %iota3A = tpu.iota {dimensions = array<i32: 1>} : vector<256x32xi32>
    %mul3A_30 = arith.constant 256 : i32
    %mul3A_31 = vector.broadcast %mul3A_30 : i32 to vector<256x32xi32>
    %mul3A_32 = arith.muli %iota3A, %mul3A_31 : vector<256x32xi32>
    %add3A = arith.addi %min3A_29, %mul3A_32 : vector<256x32xi32>
    %swap3A_33 = arith.constant 0 : index
    %swap3A_34 = arith.constant 0 : index
    %swap3A_35 = vector.load %arg6[%swap3A_33, %swap3A_34] : memref<256x32xi32, #tpu.memory_space<vmem>>, vector<256x32xi32>
    tpu.vector_store %arg6[%swap3A_33, %swap3A_34], %add3A {strides = array<i32>} : memref<256x32xi32, #tpu.memory_space<vmem>>, vector<256x32xi32>,
    return
  }
  func.func @transform_0(%arg0: i32) -> (i32, i32) {
    %c0_i32 = arith.constant 0 : i32
    %c0_i32_0 = arith.constant 0 : i32
    %c0_i32_1 = arith.constant 0 : i32
    return %c0_i32, %c0_i32_0 : i32, i32
  }
  func.func @transform_1(%arg0: i32) -> (i32, i32) {
    %c0_i32 = arith.constant 0 : i32
    %c0_i32_0 = arith.constant 0 : i32
    %c0_i32_1 = arith.constant 0 : i32
    return %c0_i32, %c0_i32_0 : i32, i32
  }
  func.func @transform_2(%arg0: i32) -> (i32, i32) {
    %c0_i32 = arith.constant 0 : i32
    %c0_i32_0 = arith.constant 0 : i32
    %c0_i32_1 = arith.constant 0 : i32
    return %c0_i32, %c0_i32_0 : i32, i32
  }
  func.func @transform_3(%arg0: i32) -> (i32, i32) {
    %c0_i32 = arith.constant 0 : i32
    %c0_i32_0 = arith.constant 0 : i32
    %c0_i32_1 = arith.constant 0 : i32
    return %c0_i32, %c0_i32_0 : i32, i32
  }
  func.func @transform_4(%arg0: i32) -> (i32, i32) {
    %c0_i32 = arith.constant 0 : i32
    %c0_i32_0 = arith.constant 0 : i32
    return %arg0, %c0_i32 : i32, i32
  }
  func.func @transform_5(%arg0: i32) -> (i32, i32) {
    %c0_i32 = arith.constant 0 : i32
    %c0_i32_0 = arith.constant 0 : i32
    return %arg0, %c0_i32 : i32, i32
  }
}

module attributes {stable_mosaic.version = 14 : i64} {
  func.func @_loss_body(%arg0: i32, %arg1: memref<256x128xbf16, #tpu.memory_space<vmem>>, %arg2: memref<128x128xbf16, #tpu.memory_space<vmem>>, %arg3: memref<8192x128xbf16, #tpu.memory_space<vmem>>, %arg4: memref<8192x128xbf16, #tpu.memory_space<vmem>>, %arg5: memref<8192x128xbf16, #tpu.memory_space<vmem>>, %arg6: memref<1x8x128xf32, #tpu.memory_space<vmem>>, %arg7: memref<1x8x128xf32, #tpu.memory_space<vmem>>) attributes {dimension_semantics = [#tpu.dimension_semantics<arbitrary>], iteration_bounds = array<i64: 16>, scalar_prefetch = 0 : i64, scratch_operands = 0 : i64, tpu.core_type = #tpu.core_type<tc>, window_params = [{transform_indices = @transform_0, window_bounds = array<i64: 256, 128>}, {pipeline_mode = #tpu.pipeline_mode<synchronous>, transform_indices = @transform_1, window_bounds = array<i64: 128, 128>}, {pipeline_mode = #tpu.pipeline_mode<synchronous>, transform_indices = @transform_2, window_bounds = array<i64: 8192, 128>}, {pipeline_mode = #tpu.pipeline_mode<synchronous>, transform_indices = @transform_3, window_bounds = array<i64: 8192, 128>}, {pipeline_mode = #tpu.pipeline_mode<synchronous>, transform_indices = @transform_4, window_bounds = array<i64: 8192, 128>}, {transform_indices = @transform_5, window_bounds = array<i64: 1, 8, 128>}, {transform_indices = @transform_6, window_bounds = array<i64: 1, 8, 128>}]} {
    %get3A = arith.constant 0 : index
    %get3A_0 = arith.constant 0 : index
    %get3A_1 = vector.load %arg1[%get3A, %get3A_0] : memref<256x128xbf16, #tpu.memory_space<vmem>>, vector<256x128xbf16>
    %get3A_2 = arith.constant 0 : index
    %get3A_3 = arith.constant 0 : index
    %get3A_4 = vector.load %arg2[%get3A_2, %get3A_3] : memref<128x128xbf16, #tpu.memory_space<vmem>>, vector<128x128xbf16>
    %dot_general3A = arith.constant dense<0.000000e+00> : vector<256x128xf32>
    %dot_general3A_5 = tpu.matmul %get3A_1, %get3A_4, %dot_general3A {dimension_numbers = #tpu.dot_dimension_numbers<[1], [0], [0], [1], [0, 0, 1, 1], [], []>, transpose_lhs_hint = false} : vector<256x128xbf16>, vector<128x128xbf16>, vector<256x128xf32> -> vector<256x128xf32>
    %convert_element_type3A = arith.truncf %dot_general3A_5 : vector<256x128xf32> to vector<256x128xbf16>
    %get3A_6 = arith.constant 0 : index
    %get3A_7 = arith.constant 0 : index
    %get3A_8 = vector.load %arg3[%get3A_6, %get3A_7] : memref<8192x128xbf16, #tpu.memory_space<vmem>>, vector<8192x128xbf16>
    %dot_general3A_9 = arith.constant dense<0.000000e+00> : vector<256x8192xf32>
    %dot_general3A_10 = tpu.matmul %get3A_1, %get3A_8, %dot_general3A_9 {dimension_numbers = #tpu.dot_dimension_numbers<[1], [1], [0], [0], [0, 0, 1, 0], [], []>, transpose_lhs_hint = false} : vector<256x128xbf16>, vector<8192x128xbf16>, vector<256x8192xf32> -> vector<256x8192xf32>
    %reduce_max3A = arith.constant dense<0xFF800000> : vector<256xf32>
    %reduce_max3A_11 = vector.multi_reduction <maximumf>, %dot_general3A_10, %reduce_max3A [1] : vector<256x8192xf32> to vector<256xf32>
    %broadcast_in_dim3A = vector.shape_cast %reduce_max3A_11 : vector<256xf32> to vector<256x1xf32>
    %sub3A = vector.broadcast %broadcast_in_dim3A : vector<256x1xf32> to vector<256x8192xf32>
    %sub3A_12 = arith.subf %dot_general3A_10, %sub3A : vector<256x8192xf32>
    %exp3A = math.exp %sub3A_12 : vector<256x8192xf32>
    %reduce_sum3A = arith.constant dense<0.000000e+00> : vector<256xf32>
    %reduce_sum3A_13 = vector.multi_reduction <add>, %exp3A, %reduce_sum3A [1] : vector<256x8192xf32> to vector<256xf32>
    %broadcast_in_dim3A_14 = vector.shape_cast %reduce_sum3A_13 : vector<256xf32> to vector<256x1xf32>
    %get3A_15 = arith.constant 0 : index
    %get3A_16 = arith.constant 0 : index
    %get3A_17 = vector.load %arg4[%get3A_15, %get3A_16] : memref<8192x128xbf16, #tpu.memory_space<vmem>>, vector<8192x128xbf16>
    %dot_general3A_18 = arith.constant dense<0.000000e+00> : vector<256x8192xf32>
    %dot_general3A_19 = tpu.matmul %convert_element_type3A, %get3A_17, %dot_general3A_18 {dimension_numbers = #tpu.dot_dimension_numbers<[1], [1], [0], [0], [0, 0, 1, 0], [], []>, transpose_lhs_hint = false} : vector<256x128xbf16>, vector<8192x128xbf16>, vector<256x8192xf32> -> vector<256x8192xf32>
    %sub3A_20 = vector.broadcast %broadcast_in_dim3A : vector<256x1xf32> to vector<256x8192xf32>
    %sub3A_21 = arith.subf %dot_general3A_19, %sub3A_20 : vector<256x8192xf32>
    %exp3A_22 = math.exp %sub3A_21 : vector<256x8192xf32>
    %reduce_sum3A_23 = arith.constant dense<0.000000e+00> : vector<256xf32>
    %reduce_sum3A_24 = vector.multi_reduction <add>, %exp3A_22, %reduce_sum3A_23 [1] : vector<256x8192xf32> to vector<256xf32>
    %broadcast_in_dim3A_25 = vector.shape_cast %reduce_sum3A_24 : vector<256xf32> to vector<256x1xf32>
    %mul3A = arith.constant 9.99999997E-7 : f32
    %mul3A_26 = vector.broadcast %mul3A : f32 to vector<256x1xf32>
    %mul3A_27 = arith.mulf %mul3A_26, %broadcast_in_dim3A_25 : vector<256x1xf32>
    %add3A = vector.broadcast %mul3A_27 : vector<256x1xf32> to vector<256x8192xf32>
    %add3A_28 = arith.addf %exp3A_22, %add3A : vector<256x8192xf32>
    %log3A = math.log %add3A_28 : vector<256x8192xf32>
    %mul3A_29 = arith.mulf %exp3A, %log3A : vector<256x8192xf32>
    %reduce_sum3A_30 = arith.constant dense<0.000000e+00> : vector<256xf32>
    %reduce_sum3A_31 = vector.multi_reduction <add>, %mul3A_29, %reduce_sum3A_30 [1] : vector<256x8192xf32> to vector<256xf32>
    %broadcast_in_dim3A_32 = vector.shape_cast %reduce_sum3A_31 : vector<256xf32> to vector<256x1xf32>
    %div3A = arith.divf %broadcast_in_dim3A_32, %broadcast_in_dim3A_14 : vector<256x1xf32>
    %log3A_33 = math.log %broadcast_in_dim3A_25 : vector<256x1xf32>
    %sub3A_34 = arith.subf %div3A, %log3A_33 : vector<256x1xf32>
    %reduce_sum3A_35 = vector.shape_cast %sub3A_34 : vector<256x1xf32> to vector<1x256x1xf32>
    %reduce_sum3A_36 = arith.constant dense<0.000000e+00> : vector<1xf32>
    %reduce_sum3A_37 = vector.multi_reduction <add>, %reduce_sum3A_35, %reduce_sum3A_36 [1, 2] : vector<1x256x1xf32> to vector<1xf32>
    %reduce_sum3A_38 = vector.shape_cast %reduce_sum3A_37 : vector<1xf32> to vector<1x1x1xf32>
    %reduce_sum3A_39 = vector.extract %reduce_sum3A_38[0, 0, 0] : f32 from vector<1x1x1xf32>
    %get3A_40 = arith.constant 0 : index
    %get3A_41 = arith.constant 0 : index
    %get3A_42 = vector.load %arg5[%get3A_40, %get3A_41] : memref<8192x128xbf16, #tpu.memory_space<vmem>>, vector<8192x128xbf16>
    %dot_general3A_43 = arith.constant dense<0.000000e+00> : vector<256x8192xf32>
    %dot_general3A_44 = tpu.matmul %convert_element_type3A, %get3A_42, %dot_general3A_43 {dimension_numbers = #tpu.dot_dimension_numbers<[1], [1], [0], [0], [0, 0, 1, 0], [], []>, transpose_lhs_hint = false} : vector<256x128xbf16>, vector<8192x128xbf16>, vector<256x8192xf32> -> vector<256x8192xf32>
    %reduce_max3A_45 = arith.constant dense<0xFF800000> : vector<256xf32>
    %reduce_max3A_46 = vector.multi_reduction <maximumf>, %dot_general3A_44, %reduce_max3A_45 [1] : vector<256x8192xf32> to vector<256xf32>
    %broadcast_in_dim3A_47 = vector.shape_cast %reduce_max3A_46 : vector<256xf32> to vector<256x1xf32>
    %sub3A_48 = vector.broadcast %broadcast_in_dim3A_47 : vector<256x1xf32> to vector<256x8192xf32>
    %sub3A_49 = arith.subf %dot_general3A_44, %sub3A_48 : vector<256x8192xf32>
    %exp3A_50 = math.exp %sub3A_49 : vector<256x8192xf32>
    %reduce_sum3A_51 = arith.constant dense<0.000000e+00> : vector<256xf32>
    %reduce_sum3A_52 = vector.multi_reduction <add>, %exp3A_50, %reduce_sum3A_51 [1] : vector<256x8192xf32> to vector<256xf32>
    %broadcast_in_dim3A_53 = vector.shape_cast %reduce_sum3A_52 : vector<256xf32> to vector<256x1xf32>
    %mul3A_54 = arith.constant 9.99999997E-7 : f32
    %mul3A_55 = vector.broadcast %mul3A_54 : f32 to vector<256x1xf32>
    %mul3A_56 = arith.mulf %mul3A_55, %broadcast_in_dim3A_53 : vector<256x1xf32>
    %add3A_57 = vector.broadcast %mul3A_56 : vector<256x1xf32> to vector<256x8192xf32>
    %add3A_58 = arith.addf %exp3A_50, %add3A_57 : vector<256x8192xf32>
    %log3A_59 = math.log %add3A_58 : vector<256x8192xf32>
    %mul3A_60 = arith.mulf %exp3A, %log3A_59 : vector<256x8192xf32>
    %reduce_sum3A_61 = arith.constant dense<0.000000e+00> : vector<256xf32>
    %reduce_sum3A_62 = vector.multi_reduction <add>, %mul3A_60, %reduce_sum3A_61 [1] : vector<256x8192xf32> to vector<256xf32>
    %broadcast_in_dim3A_63 = vector.shape_cast %reduce_sum3A_62 : vector<256xf32> to vector<256x1xf32>
    %div3A_64 = arith.divf %broadcast_in_dim3A_63, %broadcast_in_dim3A_14 : vector<256x1xf32>
    %log3A_65 = math.log %broadcast_in_dim3A_53 : vector<256x1xf32>
    %sub3A_66 = arith.subf %div3A_64, %log3A_65 : vector<256x1xf32>
    %reduce_sum3A_67 = vector.shape_cast %sub3A_66 : vector<256x1xf32> to vector<1x256x1xf32>
    %reduce_sum3A_68 = arith.constant dense<0.000000e+00> : vector<1xf32>
    %reduce_sum3A_69 = vector.multi_reduction <add>, %reduce_sum3A_67, %reduce_sum3A_68 [1, 2] : vector<1x256x1xf32> to vector<1xf32>
    %reduce_sum3A_70 = vector.shape_cast %reduce_sum3A_69 : vector<1xf32> to vector<1x1x1xf32>
    %reduce_sum3A_71 = vector.extract %reduce_sum3A_70[0, 0, 0] : f32 from vector<1x1x1xf32>
    %broadcast_in_dim3A_72 = vector.broadcast %reduce_sum3A_39 : f32 to vector<1x8x128xf32>
    %swap3A = arith.constant 0 : index
    %swap3A_73 = arith.constant 0 : index
    %swap3A_74 = arith.constant 0 : index
    %swap3A_75 = vector.load %arg6[%swap3A, %swap3A_73, %swap3A_74] : memref<1x8x128xf32, #tpu.memory_space<vmem>>, vector<1x8x128xf32>
    tpu.vector_store %arg6[%swap3A, %swap3A_73, %swap3A_74], %broadcast_in_dim3A_72 {strides = array<i32>} : memref<1x8x128xf32, #tpu.memory_space<vmem>>, vector<1x8x128xf32>,
    %broadcast_in_dim3A_76 = vector.broadcast %reduce_sum3A_71 : f32 to vector<1x8x128xf32>
    %swap3A_77 = arith.constant 0 : index
    %swap3A_78 = arith.constant 0 : index
    %swap3A_79 = arith.constant 0 : index
    %swap3A_80 = vector.load %arg7[%swap3A_77, %swap3A_78, %swap3A_79] : memref<1x8x128xf32, #tpu.memory_space<vmem>>, vector<1x8x128xf32>
    tpu.vector_store %arg7[%swap3A_77, %swap3A_78, %swap3A_79], %broadcast_in_dim3A_76 {strides = array<i32>} : memref<1x8x128xf32, #tpu.memory_space<vmem>>, vector<1x8x128xf32>,
    return
  }
  func.func @transform_0(%arg0: i32) -> (i32, i32) {
    %c0_i32 = arith.constant 0 : i32
    %c0_i32_0 = arith.constant 0 : i32
    return %arg0, %c0_i32 : i32, i32
  }
  func.func @transform_1(%arg0: i32) -> (i32, i32) {
    %c0_i32 = arith.constant 0 : i32
    %c0_i32_0 = arith.constant 0 : i32
    %c0_i32_1 = arith.constant 0 : i32
    return %c0_i32, %c0_i32_0 : i32, i32
  }
  func.func @transform_2(%arg0: i32) -> (i32, i32) {
    %c0_i32 = arith.constant 0 : i32
    %c0_i32_0 = arith.constant 0 : i32
    %c0_i32_1 = arith.constant 0 : i32
    return %c0_i32, %c0_i32_0 : i32, i32
  }
  func.func @transform_3(%arg0: i32) -> (i32, i32) {
    %c0_i32 = arith.constant 0 : i32
    %c0_i32_0 = arith.constant 0 : i32
    %c0_i32_1 = arith.constant 0 : i32
    return %c0_i32, %c0_i32_0 : i32, i32
  }
  func.func @transform_4(%arg0: i32) -> (i32, i32) {
    %c0_i32 = arith.constant 0 : i32
    %c0_i32_0 = arith.constant 0 : i32
    %c0_i32_1 = arith.constant 0 : i32
    return %c0_i32, %c0_i32_0 : i32, i32
  }
  func.func @transform_5(%arg0: i32) -> (i32, i32, i32) {
    %c0_i32 = arith.constant 0 : i32
    %c0_i32_0 = arith.constant 0 : i32
    %c0_i32_1 = arith.constant 0 : i32
    return %arg0, %c0_i32, %c0_i32_0 : i32, i32, i32
  }
  func.func @transform_6(%arg0: i32) -> (i32, i32, i32) {
    %c0_i32 = arith.constant 0 : i32
    %c0_i32_0 = arith.constant 0 : i32
    %c0_i32_1 = arith.constant 0 : i32
    return %arg0, %c0_i32, %c0_i32_0 : i32, i32, i32
  }
}

</mosaic_0001>

<sc_bundles>
// kernel: kernel.5.cloned.1.call-start
scs
__scs_entry_jumppad:
0x0: {  	(pc) =	sbr.rel $0x88, $3  }
0x1: {  	(tag) =	ssettag $0x0;
	lr =	simm.s32 $0x1  }
0x2: {  	[smem:$0x3F9C] =	sst lr;
	_ =	strace $0xD0000000  }
0x3: {  	_ = 	snop  }
0x4: {  	_ = 	snop  }
0x5: {  	_ = 	snop  }
0x6: {  	_ = 	snop  }
0x7: {  	_ = 	snop  }
__scs_overlays_trampoline_lowered:
0x8: {  	[smem:$0x3FAB] =	sst s0  }
0x9: {  	[smem:$0x3FAC] =	sst s1  }
0xa: {  	[smem:$0x3FAD] =	sst s2  }
0xb: {  	[smem:$0x3FAE] =	sst s3  }
0xc: {  	[smem:$0x3FAF] =	sst s4  }
0xd: {  	[smem:$0x3FB0] =	sst s5  }
0xe: {  	[smem:$0x3FB1] =	sst s6  }
0xf: {  	[smem:$0x3FB2] =	sst s7  }
0x10: {  	[smem:$0x3FB3] =	sst s8  }
0x11: {  	[smem:$0x3FB4] =	sst s9;
	s0 =	simm.s32 @!p0 $0x0  }
0x12: {  	s1 =	sld [smem:$0x3F9A];
	s0 =	simm.s32 @p0 $0x1  }
0x13: {  	[smem:$0x3FB5] =	sst s0;
	s0 =	simm.s32 @!p1 $0x0  }
0x14: {  	s2 =	sld [smem:$0x3F99];
	s0 =	simm.s32 @p1 $0x1  }
0x15: {  	[smem:$0x3FB6] =	sst s0;
	s0 =	simm.s32 @!p2 $0x0  }
0x16: {  	s3 =	sld [smem:$0x3FDB];
	s0 =	simm.s32 @p2 $0x1  }
0x17: {  	s4 =	simm.s32 $0x1BF5;
	[smem:$0x3FB8] =	sst s0  }
0x18: {  	s0 =	sld [smem:$0x3F9B];
	_ =	swait.ge [sflag:s4], $0x0  }
0x19: {  	s7 =	sld [smem:$0x3F9C]  }
0x1a: {  	s8 =	sadd.s32 $0xFFFFE003, lr  }
0x1b: {  	s9 =	sadd.s32 $0xFFFFFEF7, lr;
	s5 =	simm.s32 $0xFFFFFFFF;
	p2 =	slt.u32 s8, $0xFFFFF086  }
0x1c: {  	p1 =	slt.u32 s9, $0xF7A;
	s5 =	simm.s32 @!p2 $0x0  }
0x1d: {  	s5 =	simm.s32 @p1 $0x1;
	p0 =	seq.s32 s7, s2  }
0x1e: {  	s7 =	smul.u32 @!p0 $0xF7A, s2;
	p2 =	seq.s32 @!p0 s5, $0x0  }
0x1f: {  	s9 =	smul.u32 $0xF7A, s1;
	s8 =	simm.s32 @!p0 $0x1BF5;
	p2 =	por !p2, p0  }
0x20: {  	[sflag:s8] =	ssyncset.s32 @!p0 $0xFFFFF086;
	s6 =	sadd.s32 @!p0 s3, s7;
	s7 =	simm.s32 @!p0 $0x108  }
0x21: {  	s3 =	sadd.s32 s3, s9;
	s6 =	sadd.s32 @!p0 $0x88, s6;
	s7 =	simm.s32 @p2 $0x1082  }
0x22: {  	[simem:s7], [sflag:s8] =	dma.local @!p0 [hbm:s6], $0xF7A  }
0x23: {  	s9 =	sor.u32 $0xD0000000, s2;
	s6 =	simm.s32 $0x108;
	_ =	swait.ge @!p0 [sflag:s8], $0x0  }
0x24: {  	s3 =	sadd.s32 $0x88, s3;
	s6 =	simm.s32 @!p1 $0x1082;
	[sflag:s4] =	ssyncset.s32 $0xFFFFF086  }
0x25: {  	[simem:s6], [sflag:s4] =	dma.local [hbm:s3], $0xF7A  }
0x26: {  	[smem:$0x3F9C] =	sst s1;
	(tag) =	ssettag s2;
	_ =	strace s9  }
0x27: {  	s1 =	sld [smem:$0x3FAC]  }
0x28: {  	s2 =	sld [smem:$0x3FAD]  }
0x29: {  	s4 =	sld [smem:$0x3FAF]  }
0x2a: {  	p0 =	seq.s32 s5, $0x0;
	s5 =	sld [smem:$0x3FB0]  }
0x2b: {  	s6 =	sld [smem:$0x3FB1]  }
0x2c: {  	s7 =	sld [smem:$0x3FB2]  }
0x2d: {  	s3 =	simm.s32 $0x108;
	s8 =	sld [smem:$0x3FB3]  }
0x2e: {  	s3 =	simm.s32 @!p0 $0x1082;
	s9 =	sld [smem:$0x3FB4]  }
0x2f: {  	lr =	sadd.s32 s0, s3;
	s0 =	sld [smem:$0x3FAB]  }
0x30: {  	s3 =	sld [smem:$0x3FAE]  }
0x31: {  	[smem:$0x3FB7] =	sst s10  }
0x32: {  	s10 =	sld [smem:$0x3FB5];
	_ =	sdelay $0x3  }
0x33: {  	p0 =	seq.s32 s10, $0x1;
	s10 =	sld [smem:$0x3FB7];
	_ =	sdelay $0x3  }
0x34: {  	[smem:$0x3FB7] =	sst s10  }
0x35: {  	s10 =	sld [smem:$0x3FB6];
	_ =	sdelay $0x3  }
0x36: {  	p1 =	seq.s32 s10, $0x1;
	s10 =	sld [smem:$0x3FB7];
	_ =	sdelay $0x3  }
0x37: {  	[smem:$0x3FB7] =	sst s10  }
0x38: {  	s10 =	sld [smem:$0x3FB8]  }
0x39: {  	_ = 	snop;
	(pc) =	sbr.ind lr, $3  }
0x3a: {  	_ = 	snop  }
0x3b: {  	_ = 	snop  }
0x3c: {  	p2 =	seq.s32 s10, $0x1;
	s10 =	sld [smem:$0x3FB7]  }
0x3d: {  	_ =	shalt  }
0x3e: {  	_ =	shalt  }
0x3f: {  	_ =	shalt  }
0x40: {  	_ =	shalt  }
0x41: {  	_ =	shalt  }
0x42: {  	_ =	shalt  }
0x43: {  	_ =	shalt  }
0x44: {  	_ =	shalt  }
0x45: {  	_ =	shalt  }
0x46: {  	_ =	shalt  }
0x47: {  	_ =	shalt  }
0x48: {  	_ =	shalt  }
0x49: {  	_ =	shalt  }
0x4a: {  	_ =	shalt  }
0x4b: {  	_ =	shalt  }
0x4c: {  	_ =	shalt  }
0x4d: {  	_ =	shalt  }
0x4e: {  	_ =	shalt  }
0x4f: {  	_ =	shalt  }
0x50: {  	_ =	shalt  }
0x51: {  	_ =	shalt  }
0x52: {  	_ =	shalt  }
0x53: {  	_ =	shalt  }
0x54: {  	_ =	shalt  }
0x55: {  	_ =	shalt  }
0x56: {  	_ =	shalt  }
0x57: {  	_ =	shalt  }
0x58: {  	_ =	shalt  }
0x59: {  	_ =	shalt  }
0x5a: {  	_ =	shalt  }
0x5b: {  	_ =	shalt  }
0x5c: {  	_ =	shalt  }
0x5d: {  	_ =	shalt  }
0x5e: {  	_ =	shalt  }
0x5f: {  	_ =	shalt  }
0x60: {  	_ =	shalt  }
0x61: {  	_ =	shalt  }
0x62: {  	_ =	shalt  }
0x63: {  	_ =	shalt  }
0x64: {  	_ =	shalt  }
0x65: {  	_ =	shalt  }
0x66: {  	_ =	shalt  }
0x67: {  	_ =	shalt  }
0x68: {  	_ =	shalt  }
0x69: {  	_ =	shalt  }
0x6a: {  	_ =	shalt  }
0x6b: {  	_ =	shalt  }
0x6c: {  	_ =	shalt  }
0x6d: {  	_ =	shalt  }
0x6e: {  	_ =	shalt  }
0x6f: {  	_ =	shalt  }
0x70: {  	_ =	shalt  }
0x71: {  	_ =	shalt  }
0x72: {  	_ =	shalt  }
0x73: {  	_ =	shalt  }
0x74: {  	_ =	shalt  }
0x75: {  	_ =	shalt  }
0x76: {  	_ =	shalt  }
0x77: {  	_ =	shalt  }
0x78: {  	_ =	shalt  }
0x79: {  	_ =	shalt  }
0x7a: {  	_ =	shalt  }
0x7b: {  	_ =	shalt  }
0x7c: {  	_ =	shalt  }
0x7d: {  	_ =	shalt  }
0x7e: {  	_ =	shalt  }
0x7f: {  	_ =	shalt  }
0x80: {  	_ =	shalt  }
0x81: {  	_ =	shalt  }
0x82: {  	_ =	shalt  }
0x83: {  	_ =	shalt  }
0x84: {  	_ =	shalt  }
0x85: {  	_ =	shalt  }
0x86: {  	_ =	shalt  }
0x87: {  	_ =	shalt  }
.Lfunc_end0:
.L_simem_size_0:
called_computation_lowered:
.L_overlay_start_0:
0x88: {  	s2 =	sld [smem:$0x3FD9]  }
0x89: {  	s3 =	sld [smem:$0x3FFE];
	_ =	sdelay $0x1  }
0x8a: {  	s1 =	srdreg.scid  }
0x8b: {  	s0 =	sand.u32 $0x1, s1  }
0x8c: {  	s16 =	sshll.u32 s0, $0xA;
	s2 =	sadd.s32 s3, s2  }
0x8d: {  	s2 =	sadd.s32 s2, s16  }
0x8e: {  	[smem:$0x3FC3] =	sst s2  }
0x8f: {  	_ = 	snop  }
0x90: {  	(tm) =	ssettm $0x1  }
0x91: {  	s17 =	sld [smem:$0x3FFB];
	_ =	sdelay $0x3  }
0x92: {  	_ =	strace s17  }
0x93: {  	s2 =	sld [smem:$0x3FFC];
	_ =	sdelay $0x3  }
0x94: {  	_ =	strace s2  }
0x95: {  	s2 =	sld [smem:$0x3FFD];
	_ =	sdelay $0x3  }
0x96: {  	_ =	strace s2  }
0x97: {  	_ =	strace $0x8FFFFFFF  }
0x98: {  	s18 =	sld [smem:$0x3FDB];
	_ =	sdelay $0x1  }
0x99: {  	s19 =	simm.s32 $_scs_section_size  }
0x9a: {  	s4 =	simm.s32 $_size__tile_overlayer_lowered;
	s5 =	simm.s32 $_tile_overlayer_lowered  }
0x9b: {  	s22 =	simm.s32 $0x1BFF;
	s21 =	sshll.u32 s5, $0x1;
	s2 =	sadd.s32 s19, s18  }
0x9c: {  	s6 =	simm.s32 $0x0;
	s20 =	sshll.u32 s4, $0x1;
	s4 =	sadd.s32 s21, s2  }
0x9d: {  	[timem:s6], [sflag:s22] =	dma.local [hbm:s4], s20  }
0x9e: {  	_ =	swait.ge [sflag:s22], s20  }
0x9f: {  	s3 =	ssub.s32 $0x0, s20;
	[sflag:s22] =	ssyncset.done $0x0  }
0xa0: {  	[sflag:s22] =	ssyncadd.s32 s3;
	_ =	sdelay $0x1  }
0xa1: {  	s23 =	simm.s32 $0x1B8B  }
0xa2: {  	_ =	swait.ge [sflag:s23], $0x1  }
0xa3: {  	[sflag:s23] =	ssyncset.done $0x0  }
0xa4: {  	s25 =	simm.s32 $0x1B8E;
	s24 =	sld [smem:$0x3FFE];
	[sflag:s23] =	ssyncadd.s32 $0xFFFFFFFF  }
0xa5: {  	s26 =	simm.s32 $execute0_lowered;
	[smem:$0x3FD2] =	sst s25  }
0xa6: {  	s4 =	sshll.u32 s26, $0x1;
	_ =	strace $0x80000046;
	[dreg:$0x1] =	wrdreg $0xFFFFFFFF  }
0xa7: {  	s28 =	simm.s32 $_size_execute0_lowered;
	s2 =	sadd.s32 s2, s4;
	[dreg:$0x0] =	wrdreg $0x0  }
0xa8: {  	s4 =	sshll.u32 s28, $0x1;
	[dreg:$0x2] =	wrdreg s2  }
0xa9: {  	[dreg:$0x3] =	wrdreg s4  }
0xaa: {  	[dreg:$0x4] =	wrdreg $0xC0  }
0xab: {  	_ =	task [dreg:s6], $0x5FFFF  }
0xac: {  	[dreg:$0x1] =	wrdreg $0xFFFFFFFF  }
0xad: {  	[dreg:$0x0] =	wrdreg $0x60  }
0xae: {  	[dreg:$0x2] =	wrdreg s24  }
0xaf: {  	[dreg:$0x3] =	wrdreg $0x9  }
0xb0: {  	_ =	task.clear_ibuf [dreg:s6], $0x4FFFF;
	_ =	strace $0x90000046  }
0xb1: {  	s29 =	simm.s32 $0x9;
	_ =	strace $0x8000004F  }
0xb2: {  	_ =	swait.ge [sflag:s29], $0x1  }
0xb3: {  	[sflag:s29] =	ssyncadd.s32 $0xFFFFFFFF  }
0xb4: {  	_ =	strace $0x9000004F  }
0xb5: {  	_ =	sfence  }
0xb6: {  	s30 =	sld [smem:$0x0];
	_ =	sdelay $0x2  }
0xb7: {  	s31 =	sshll.u32 s1, $0xD;
	s1 =	sshrl.u32 s1, $0x2  }
0xb8: {  	s3 =	sand.u32 $0x4000, s31;
	s1 =	sadd.s32 s1, s30  }
0xb9: {  	s0 =	sor.u32 s3, s0;
	s1 =	sshll.u32 s1, $0x11  }
0xba: {  	s0 =	sor.u32 s1, s0  }
0xbb: {  	s0 =	sadd.s32 $0x8F2B, s0  }
0xbc: {  	[sflag:s0] =	ssyncadd.remote.s32 $0x1  }
0xbd: {  	_ =	sfence.sel $0xFFFF  }
0xbe: {  	[dreg:$0x0] =	wrdreg $0xFFFFFFFF;
	(pc) =	sbr.abs _section_cstart, $3  }
0xbf: {  	[dreg:$0x1] =	wrdreg $0xFFFFFFFF  }
0xc0: {  	_ =	task.clear_ibuf [dreg:s6], $0x2FFFF;
	_ =	strace $0x9FFFFFFF  }
0xc1: {  	(tm) =	ssettm $0x7FFFFFFF  }
tec
execute0_lowered:
.L_overlay_start_1:
0x0: {  	(tag) =	ssettag $0x1  }
0x1: {  	s1 =	rddreg [dreg:$0x0]  }
0x2: {  	s0 =	rddreg [dreg:$0x1]  }
0x3: {  	s2 =	simm.s32 $0x0;
	s3 =	srdreg.scid;
	s9 =	simm.s32 $0x5  }
0x4: {  	s10 =	simm.s32 $0x8000;
	s11 =	simm.s32 $0x4;
	s12 =	simm.s32 $0x0  }
0x5: {  	[smem:$0x7FF] =	sst s2;
	s4 =	sadd.s32 $0x8000, s1;
	s5 =	sand.u32 $0x1, s3  }
0x6: {  	s3 =	stileid.u32;
	s6 =	ssub.s32 $0x2, s5;
	s7 =	sshll.u32 s5, $0x4  }
0x7: {  	_ =	strace $0x80000047;
	s8 =	sshrl.u32 s6, $0x1;
	s7 =	sor.u32 s3, s7  }
0x8: {  	v0 =	vlaneseq.u32;
	s8 =	ssub.s32 s6, s8;
	s6 =	sshll.u32 s7, $0x4;
	s7 =	sshll.u32 s7, $0xA  }
0x9: {  	v0 =	vmul.u32 $0x4, v0;
	s5 =	sadd.s32 $0x9000, s1;
	s7 =	sadd.s32 s1, s7;
	s8 =	smax.u32 s8, $0x1  }
.LBB2_1:
0xa: {  	[tilespmem:s2], [sflag:$0x5] =	stream.linear.gather [hbm4b:s4+s2], $0x8000, $0x38;
	[tilespmem:$0x9400] =	vst v63  }
0xb: {  	_ =	swait.ge [sflag:s9], $0x8000  }
0xc: {  	[sflag:s9] =	ssyncset.done $0x0  }
0xd: {  	s13 =	simm.s32 $0x0;
	s14 =	simm.s32 $0x0;
	[sflag:s9] =	ssyncadd.s32 $0xFFFF8000  }
0xe: {  	s15 =	simm.s32 $0x0;
	s16 =	simm.s32 $0x0;
	_ =	strace $0x80000048  }
0xf: {  	[tilespmem:s10], [sflag:$0x1] =	stream.linear.gather [hbm4b:s7+s2], $0x200, $0x200038;
	[tilespmem:$0x9400] =	vst v63  }
0x10: {  	s17 =	simm.s32 $0x1;
	s18 =	simm.s32 $0x0;
	_ =	strace $0x90000048  }
.LBB2_2:
0x11: {  	s22 =	smov.u32 s13;
	s13 =	sadd.s32 $0x1, s13  }
0x12: {  	p0 =	seq.s32 s13, $0x10  }
0x13: {  	s13 =	simm.s32 @p0 $0x0  }
0x14: {  	p6 =	sne.s32 s18, $0xF;
	p1 =	sne.s32 s22, s13  }
0x15: {  	p0 =	por !p6, !p1  }
0x16: {  	p0 =	por !p0, !p0  }
0x17: {  	s20 =	sadd.s32 @p0 s6, s13  }
0x18: {  	s19 =	sand.u32 @p0 $0x1, s17;
	_ =	strace @p0 $0x80000049;
	s20 =	sshll.u32 @p0 s20, $0x6  }
0x19: {  	s23 =	simm.s32 @p0 $0x0;
	s21 =	sshll.u32 @p0 s19, $0x9;
	s20 =	sand.u32 @p0 $0x1FFFFFC0, s20  }
0x1a: {  	s19 =	sadd.s32 @p0 $0x1, s19;
	s21 =	sor.u32 @p0 $0x8000, s21;
	s20 =	sadd.s32 @p0 s1, s20  }
0x1b: {  	[tilespmem:s21], [sflag:s19] =	stream.linear.gather @p0 [hbm4b:s20+s23], $0x200, $0x200038;
	[tilespmem:$0x9400] =	vst v63  }
0x1c: {  	s28 =	sand.u32 $0x1, s16;
	_ =	strace @p0 $0x90000049  }
0x1d: {  	s19 =	sadd.s32 $0x1, s28;
	_ =	strace $0x8000004A  }
0x1e: {  	_ =	swait.ge [sflag:s19], $0x200  }
0x1f: {  	[sflag:s19] =	ssyncset.done $0x0  }
0x20: {  	s29 =	sshll.u32 s16, $0x9;
	[sflag:s19] =	ssyncadd.s32 $0xFFFFFE00  }
0x21: {  	s19 =	sand.u32 $0x200, s29;
	_ =	strace $0x9000004A  }
0x22: {  	s20 =	sor.u32 $0x8000, s19;
	_ =	strace $0x8000004B  }
0x23: {  	v1 =	vld [tilespmem:s20+$0x0];
	_ =	sdelay $0x4  }
0x24: {  	v1 =	vshll.u32 v1, $0x2;
	_ =	sdelay $0x1  }
0x25: {  	s30 =	simm.s32 $0x0  }
0x26: {  	v2 =	vmov s30  }
0x27: {  	v2 =	vshll.u32 v2, $0x2  }
0x28: {  	v2 =	vor.u32 v0, v2;
	v3 =	vld.idx.msk [tilespmem:v1+s2+$0x0], $0xffff  }
0x29: {  	v4 =	vor.u32 $0x1, v1  }
0x2a: {  	s21 =	sand.u32 $0x1, s15  }
0x2b: {  	s31 =	sshll.u32 s21, $0xB  }
0x2c: {  	s19 =	sor.u32 $0x8400, s31  }
0x2d: {  	[tilespmem:v2+s19+$0x0] =	vst.idx.msk $0xffff, v3  }
0x2e: {  	v62 =	vor.u32 $0x1, v2;
	v3 =	vld.idx.msk [tilespmem:v4+s2+$0x0], $0xffff  }
0x2f: {  	v5 =	vor.u32 $0x2, v1;
	_ =	sdelay $0x3  }
0x30: {  	[tilespmem:v62+s19+$0x0] =	vst.idx.msk $0xffff, v3  }
0x31: {  	v63 =	vor.u32 $0x2, v2;
	v3 =	vld.idx.msk [tilespmem:v5+s2+$0x0], $0xffff  }
0x32: {  	v1 =	vor.u32 $0x3, v1;
	_ =	sdelay $0x3  }
0x33: {  	[tilespmem:v63+s19+$0x0] =	vst.idx.msk $0xffff, v3  }
0x34: {  	s22 =	sadd.s32 s6, s22;
	s23 =	simm.s32 $0x10;
	v2 =	vor.u32 $0x3, v2;
	v1 =	vld.idx.msk [tilespmem:v1+s2+$0x0], $0xffff  }
.LBB2_3:
0x35: {  	_ =	sdelay $0x2  }
0x36: {  	p2 =	sne.s32 s23, $0x1F0  }
0x37: {  	s20 =	sadd.s32 $0x10, s20;
	s24 =	smov.u32 s23;
	s23 =	sadd.s32 $0x10, s23;
	[tilespmem:v2+s19+$0x0] =	vst.idx.msk $0xffff, v1  }
0x38: {  	v1 =	vld [tilespmem:s20+$0x0];
	_ =	sdelay $0x4  }
0x39: {  	v1 =	vshll.u32 v1, $0x2;
	_ =	sdelay $0x3  }
0x3a: {  	v2 =	vmov s24  }
0x3b: {  	v2 =	vshll.u32 v2, $0x2;
	v3 =	vld.idx.msk [tilespmem:v1+s2+$0x0], $0xffff  }
0x3c: {  	v2 =	vor.u32 v0, v2  }
0x3d: {  	v4 =	vor.u32 $0x1, v1;
	_ =	sdelay $0x3  }
0x3e: {  	[tilespmem:v2+s19+$0x0] =	vst.idx.msk $0xffff, v3  }
0x3f: {  	v3 =	vld.idx.msk [tilespmem:v4+s2+$0x0], $0xffff  }
0x40: {  	v4 =	vor.u32 $0x1, v2  }
0x41: {  	v5 =	vor.u32 $0x2, v1;
	_ =	sdelay $0x3  }
0x42: {  	[tilespmem:v4+s19+$0x0] =	vst.idx.msk $0xffff, v3  }
0x43: {  	v3 =	vld.idx.msk [tilespmem:v5+s2+$0x0], $0xffff  }
0x44: {  	v4 =	vor.u32 $0x2, v2  }
0x45: {  	v1 =	vor.u32 $0x3, v1;
	_ =	sdelay $0x1  }
.Ltmp0:
0x46: {  	(pc) =	sbr.rel @p2 .LBB2_3-.Ltmp0, $4  }
0x47: {  	_ = 	snop  }
0x48: {  	[tilespmem:v4+s19+$0x0] =	vst.idx.msk $0xffff, v3  }
0x49: {  	v1 =	vld.idx.msk [tilespmem:v1+s2+$0x0], $0xffff  }
0x4a: {  	v2 =	vor.u32 $0x3, v2  }
0x4b: {  	_ =	sdelay $0x1  }
0x4c: {  	p2 =	seq.s32 s18, $0xF  }
0x4d: {  	p1 =	por p2, p1  }
0x4e: {  	s20 =	sshll.u32 @p1 s22, $0x8;
	[tilespmem:v2+s19+$0x0] =	vst.idx.msk $0xffff, v1  }
0x4f: {  	s21 =	sadd.s32 @p1 $0x3, s21;
	s20 =	sand.u32 @p1 $0x1FFFFF00, s20;
	_ =	strace $0x9000004B  }
0x50: {  	s22 =	simm.s32 @p1 $0x0;
	s20 =	sadd.s32 @p1 s5, s20;
	_ =	strace @p1 $0x8000004C  }
0x51: {  	[hbm4b:s20+s22] =	stream.linear.scatter @p1 [tilespmem:s19], [sflag:s21], $0x800, $0x200038;
	[tilespmem:$0x9400] =	vst v63  }
0x52: {  	s19 =	simm.s32 $0x1  }
0x53: {  	s21 =	simm.s32 $0x1;
	s19 =	simm.s32 @!p0 $0x0;
	p0 =	seq.s32 s18, $0x0  }
0x54: {  	_ =	strace @p1 $0x9000004C;
	s17 =	sadd.s32 s19, s17;
	s19 =	simm.s32 $0x1  }
0x55: {  	s19 =	simm.s32 @!p1 $0x0;
	p1 =	sne.s32 s18, $0x0;
	s18 =	sadd.s32 $0x1, s18  }
0x56: {  	s20 =	sand.u32 @!p0 $0x1, s14;
	s21 =	simm.s32 @!p1 $0x0;
	p1 =	sne.s32 s18, $0x10  }
.Ltmp1:
0x57: {  	_ =	strace @!p0 $0x8000004D;
	s20 =	sadd.s32 @!p0 $0x3, s20;
	(pc) =	sbr.rel @p1 .LBB2_2-.Ltmp1, $4  }
0x58: {  	_ =	swait.ge @!p0 [sflag:s20], $0x800  }
0x59: {  	[sflag:s20] =	ssyncset.done @!p0 $0x0  }
0x5a: {  	s15 =	sadd.s32 s19, s15;
	[sflag:s20] =	ssyncadd.s32 @!p0 $0xFFFFF800  }
0x5b: {  	s16 =	sadd.s32 s19, s16;
	s14 =	sadd.s32 s21, s14;
	_ =	strace @!p0 $0x9000004D  }
0x5c: {  	s12 =	sadd.s32 $0x1, s12  }
0x5d: {  	p0 =	sne.s32 s12, s8  }
.Ltmp2:
0x5e: {  	_ =	strace $0x8000004E;
	(pc) =	sbr.rel @p0 .LBB2_1-.Ltmp2, $4  }
0x5f: {  	_ =	swait.ge [sflag:s11], $0x800  }
0x60: {  	[sflag:s11] =	ssyncset.done $0x0  }
0x61: {  	[sflag:s11] =	ssyncadd.s32 $0xFFFFF800  }
0x62: {  	_ =	strace $0x9000004E  }
0x63: {  	_ =	sfence.sel $0x180000  }
0x64: {  	[bflag:$0x0] =	sbarrier.arrive $0xFFFF  }
0x65: {  	p0 =	sne.s32 s3, $0x0;
	_ =	strace $0x90000047  }
0x66: {  	s0 =	sadd.s32 @!p0 $0x100000, s0;
	[bflag:$0x2] =	sbarrier.arrive $0xFFFF  }
0x67: {  	[sflag:s0] =	ssyncadd.tile.s32 @!p0 $0x1;
	_ =	shalt  }
.Lfunc_end2:
_tile_overlayer_lowered:
.L_overlay_start_2:
0x68: {  	(tag) =	ssettag $0x2  }
0x69: {  	s0 =	rddreg [dreg:$0x0];
	s2 =	stileid.u32  }
0x6a: {  	s1 =	rddreg [dreg:$0x1];
	p0 =	sne.s32 s2, $0x0  }
0x6b: {  	s3 =	rddreg [dreg:$0x2];
	[bflag:$0x3] =	sbarrier.arrive $0xFFFF;
	s2 =	simm.s32 @!p0 $0x1C01  }
0x6c: {  	[timem:s3], [sflag:s2] =	dma.local @!p0 [hbm:s0], s1  }
0x6d: {  	s0 =	simm.s32 @!p0 $0x1  }
0x6e: {  	_ =	swait.ge @!p0 [sflag:s0], s1  }
0x6f: {  	s1 =	ssub.s32 @!p0 $0x0, s1;
	[sflag:s0] =	ssyncset.done @!p0 $0x0  }
0x70: {  	[sflag:s0] =	ssyncadd.s32 @!p0 s1  }
0x71: {  	[bflag:$0x3] =	sbarrier.arrive $0xFFFF  }
0x72: {  	_ =	shalt  }

</sc_bundles>
